<compile_context>
chip_gen: v7x
topology: tpu7x:2x2x1
jax: 0.10.2.dev20260603
libtpu: 0.0.44.dev20260713+nightly
codegen_flags: <defaults>
</compile_context>

<pallas_src>
import jax
import jax.numpy as jnp
from jax import lax
from jax.experimental import pallas as pl
from jax.experimental.pallas import tpu as pltpu
from jax.experimental.pallas import tpu_sc as plsc

_B, _L, _T = 16, 512, 64
_W = 72
_D, _K = _T, _T + 1
_HALF = _L // 2


def _partition_body(emis_ref, len_ref, trans_ref, transT_ref, start_ref,
                    end_ref, out_ref, ee_ref):
    emis = emis_ref[...]
    lens3 = len_ref[...].reshape(1, _B, 1)

    tpos3 = lax.broadcasted_iota(jnp.int32, (_L, _B, _T), 0)
    valid = tpos3 < lens3

    live = jnp.where(valid, jnp.exp(emis), 0.0)
    iota_r = lax.broadcasted_iota(jnp.int32, (_L, _B, _W - _T), 2)
    dump = (tpos3[:, :, :1] == lens3).astype(jnp.float32)
    right = jnp.where(iota_r == 0, dump,
                      jnp.where(iota_r == 1, 1.0, 0.0))
    ee_ref[...] = jnp.concatenate([live, right],
                                  axis=2).astype(jnp.bfloat16)

    e_end = jnp.exp(end_ref[...])
    e_end_col = jnp.transpose(e_end, (1, 0))
    ic = lax.broadcasted_iota(jnp.int32, (_T, _W - _T), 1)
    top = jnp.concatenate(
        [jnp.exp(trans_ref[...]),
         jnp.where(ic == 0, e_end_col, 0.0)], axis=1)
    ir2 = lax.broadcasted_iota(jnp.int32, (_W - _T, _W), 0)
    ic2 = lax.broadcasted_iota(jnp.int32, (_W - _T, _W), 1)
    bottom = ((ir2 <= 1) & (ic2 == _K)).astype(jnp.float32)
    E = jnp.concatenate([top, bottom], axis=0).astype(jnp.bfloat16)

    topT = jnp.concatenate(
        [jnp.exp(transT_ref[...]), jnp.zeros((_T, _W - _T), jnp.float32)],
        axis=1)
    e_end_pad = jnp.concatenate(
        [e_end, jnp.zeros((1, _W - _T), jnp.float32)], axis=1)
    botT = jnp.where(ir2 == 0, jnp.broadcast_to(e_end_pad, (_W - _T, _W)),
                     jnp.where((ir2 == 1) & ((ic2 == _D) | (ic2 == _K)),
                               1.0, 0.0))
    ET = jnp.concatenate([topT, botT], axis=0).astype(jnp.bfloat16)

    iota_w = lax.broadcasted_iota(jnp.int32, (_B, _W), 1)
    u0 = jnp.concatenate(
        [jnp.exp(start_ref[...]) * jnp.exp(emis[0]),
         jnp.zeros((_B, _W - _T), jnp.float32)],
        axis=1).astype(jnp.bfloat16)
    w0 = ((iota_w == _D) | (iota_w == _K)).astype(jnp.bfloat16)

    def step_f(t, u):
        s = lax.dot_general(u, E, (((1,), (0,)), ((), ())),
                            preferred_element_type=jnp.float32)
        return s.astype(jnp.bfloat16) * ee_ref[t]

    def step_b(t, w):
        h = w * ee_ref[t]
        s = lax.dot_general(h, ET, (((1,), (0,)), ((), ())),
                            preferred_element_type=jnp.float32)
        return s.astype(jnp.bfloat16)

    def rescale(a, c):
        m = jnp.max(a.astype(jnp.float32), axis=1, keepdims=True)
        return (a.astype(jnp.float32) / m).astype(jnp.bfloat16), c + jnp.log(m)

    u, w = u0, w0
    for i in range(1, 8):
        u = step_f(i, u)
    for i in range(8):
        w = step_b(511 - i, w)
    zero_c = jnp.zeros((_B, 1), jnp.float32)
    u, cf = rescale(u, zero_c)
    w, cb = rescale(w, zero_c)

    def block(i, carry):
        u, w, cf, cb = carry
        for q in range(8):
            u = step_f(8 + 8 * i + q, u)
            w = step_b(503 - 8 * i - q, w)
        u, cf = rescale(u, cf)
        w, cb = rescale(w, cb)
        return (u, w, cf, cb)

    u, w, cf, cb = lax.fori_loop(0, 31, block, (u, w, cf, cb))

    z = jnp.sum(u.astype(jnp.float32) * w.astype(jnp.float32),
                axis=1, keepdims=True)
    out_ref[...] = cf + cb + jnp.log(z)


def _make_score_kernel():
    mesh = plsc.VectorSubcoreMesh(core_axis_name="c", subcore_axis_name="s")

    def body(emis_hbm, tags_hbm, tagsn_hbm, lenb_hbm, len_hbm, trans_hbm,
             start_hbm, end_hbm, out_hbm, tags_v, tagsn_v, len_v, eidx_v,
             tidx_v, evals_v, tvals_v, acc_v, i16_v, t16_v, f16_v, l16_v,
             sem):
        c = lax.axis_index("c")
        s = lax.axis_index("s")
        wid = s * 2 + c
        b = wid // 2
        half = wid % 2
        lo = half * _HALF

        cp1 = pltpu.async_copy(tags_hbm.at[pl.ds(b * _L + lo, _HALF)],
                               tags_v, sem)
        cp2 = pltpu.async_copy(tagsn_hbm.at[pl.ds(b * _L + lo, _HALF)],
                               tagsn_v, sem)
        cp3 = pltpu.async_copy(lenb_hbm.at[pl.ds(b * 16, 16)], len_v, sem)
        cp1.wait()
        cp2.wait()
        cp3.wait()
        len_vec = len_v[...]

        base = (b * _L + lo) * _T
        for i in range(_HALF // 16):
            t16 = tags_v[pl.ds(i * 16, 16)]
            tn16 = tagsn_v[pl.ds(i * 16, 16)]
            lane = lax.iota(jnp.int32, 16) + i * 16
            eidx_v[pl.ds(i * 16, 16)] = base + lane * _T + t16
            tidx_v[pl.ds(i * 16, 16)] = t16 * _T + tn16

        g1 = pltpu.async_copy(emis_hbm.at[eidx_v], evals_v, sem)
        g2 = pltpu.async_copy(trans_hbm.at[tidx_v], tvals_v, sem)

        @pl.when(wid == 0)
        def _():
            i16_v[...] = lax.iota(jnp.int32, 16) * _L
            pltpu.sync_copy(tags_hbm.at[i16_v], t16_v)
            pltpu.sync_copy(start_hbm.at[t16_v], f16_v)
            pltpu.sync_copy(f16_v, out_hbm.at[32])

        @pl.when(wid == 2)
        def _():
            pltpu.sync_copy(len_hbm, l16_v)
            i16_v[...] = lax.iota(jnp.int32, 16) * _L + l16_v[...] - 1
            pltpu.sync_copy(tags_hbm.at[i16_v], t16_v)
            pltpu.sync_copy(end_hbm.at[t16_v], f16_v)
            pltpu.sync_copy(f16_v, out_hbm.at[33])

        g1.wait()
        g2.wait()

        acc = jnp.zeros((16,), jnp.float32)
        for i in range(_HALF // 16):
            t_abs = lax.iota(jnp.int32, 16) + i * 16 + lo
            ev = evals_v[pl.ds(i * 16, 16)]
            tv = tvals_v[pl.ds(i * 16, 16)]
            acc = acc + jnp.where(t_abs < len_vec, ev, 0.0)
            m_tr = ((t_abs + 1) < len_vec) & (t_abs < (_L - 1))
            acc = acc + jnp.where(m_tr, tv, 0.0)
        acc_v[...] = acc
        pltpu.sync_copy(acc_v, out_hbm.at[wid])

    return pl.kernel(
        body,
        out_type=jax.ShapeDtypeStruct((34, 16), jnp.float32),
        mesh=mesh,
        scratch_types=[
            pltpu.VMEM((_HALF,), jnp.int32),
            pltpu.VMEM((_HALF,), jnp.int32),
            pltpu.VMEM((16,), jnp.int32),
            pltpu.VMEM((_HALF,), jnp.int32),
            pltpu.VMEM((_HALF,), jnp.int32),
            pltpu.VMEM((_HALF,), jnp.float32),
            pltpu.VMEM((_HALF,), jnp.float32),
            pltpu.VMEM((16,), jnp.float32),
            pltpu.VMEM((16,), jnp.int32),
            pltpu.VMEM((16,), jnp.int32),
            pltpu.VMEM((16,), jnp.float32),
            pltpu.VMEM((16,), jnp.int32),
            pltpu.SemaphoreType.DMA,
        ],
    )


def kernel(emissions, tags, lengths, transitions, start_transitions,
           end_transitions):
    lens = jnp.maximum(lengths, 1).astype(jnp.int32)

    emis_t = jnp.transpose(emissions, (1, 0, 2))
    log_z = pl.pallas_call(
        _partition_body,
        out_shape=jax.ShapeDtypeStruct((_B, 1), jnp.float32),
        scratch_shapes=[pltpu.VMEM((_L, _B, _W), jnp.bfloat16)],
    )(emis_t, lens[:, None], transitions,
      jnp.transpose(transitions, (1, 0)),
      start_transitions[None, :], end_transitions[None, :])

    tags_flat = tags.reshape(-1)
    tagsn_flat = jnp.concatenate(
        [tags[:, 1:], jnp.zeros((_B, 1), jnp.int32)], axis=1).reshape(-1)
    partials = _make_score_kernel()(
        emissions.reshape(-1), tags_flat, tagsn_flat, jnp.repeat(lens, 16),
        lens, transitions.reshape(-1), start_transitions, end_transitions)
    log_s = (jnp.sum(partials[:32].reshape(_B, 2 * 16), axis=1)
             + partials[32] + partials[33])

    return log_s - log_z[:, 0]

# --- scband reference (transcript-rebuilt; emitter-appended) ---
"""Pipeline reference for scband-crf-decoder-abc-88244398063964 (READ-ONLY COPY).

The authoritative reference and input builder live on the scoring server;
editing this copy changes nothing except your own understanding.
"""

import jax, jax.numpy as jnp
import numpy as np

B, L, T = 16, 512, 64

def setup_inputs(seed: int = 0) -> dict:
    key = jax.random.key(seed)
    k1, k2, k3, k4, k5, k6 = jax.random.split(key, 6)
    emissions = jax.random.normal(k1, (B, L, T), dtype=jnp.float32)
    tags = jax.random.randint(k2, (B, L), 0, T, dtype=jnp.int32)
    lengths = jax.random.randint(k3, (B,), 0, L, dtype=jnp.int32)
    transitions = 0.01 * jax.random.normal(k4, (T, T), dtype=jnp.float32)
    start_transitions = 0.01 * jax.random.normal(k5, (T,), dtype=jnp.float32)
    end_transitions = 0.01 * jax.random.normal(k6, (T,), dtype=jnp.float32)
    return {"emissions": emissions, "tags": tags, "lengths": lengths,
            "transitions": transitions, "start_transitions": start_transitions,
            "end_transitions": end_transitions}

def _log_partitions(emissions, lengths, transitions, start_transitions, end_transitions):
    # forward algorithm over padded sequences (equivalent of compute_log_partitions)
    alpha0 = start_transitions[None, :] + emissions[:, 0, :]
    emits = jnp.swapaxes(emissions[:, 1:, :], 0, 1)  # [L-1, B, T]
    ts = jnp.arange(1, L)

    def step(alpha, xs):
        emit_t, t = xs
        new = jax.nn.logsumexp(alpha[:, :, None] + transitions[None, :, :], axis=1) + emit_t
        mask = (t < lengths)[:, None]
        alpha = jnp.where(mask, new, alpha)
        return alpha, None

    alpha, _ = jax.lax.scan(step, alpha0, (emits, ts))
    return jax.nn.logsumexp(alpha + end_transitions[None, :], axis=-1)

def _log_scores(emissions, tags, lengths, transitions, start_transitions, end_transitions):
    # path score (equivalent of compute_log_scores)
    pos = jnp.arange(L)[None, :]
    valid = pos < lengths[:, None]
    emit_sc = jnp.take_along_axis(emissions, tags[:, :, None].astype(jnp.int32), axis=2)[:, :, 0]
    emit_sum = jnp.sum(jnp.where(valid, emit_sc, 0.0), axis=1)
    trans_sc = transitions[tags[:, :-1], tags[:, 1:]]
    valid_tr = jnp.arange(1, L)[None, :] < lengths[:, None]
    trans_sum = jnp.sum(jnp.where(valid_tr, trans_sc, 0.0), axis=1)
    last_tag = tags[jnp.arange(B), lengths - 1]
    return start_transitions[tags[:, 0]] + emit_sum + trans_sum + end_transitions[last_tag]

def reference(emissions, tags, lengths, transitions, start_transitions, end_transitions):
    lengths = jnp.maximum(lengths, 1)
    log_z = _log_partitions(emissions, lengths, transitions, start_transitions, end_transitions)
    log_s = _log_scores(emissions, tags, lengths, transitions, start_transitions, end_transitions)
    # CrfDecoderABC.fit -> dist.log_prob(tags) = log_scores - log_partitions, shape [B]
    return log_s - log_z

if __name__ == "__main__":
    import jax
    _d = setup_inputs()
    print(jax.jit(kernel)(*tuple(_d.values())))

</pallas_src>

<mosaic_0001>
#map = affine_map<(d0, d1) -> (0)>
#map1 = affine_map<(d0, d1) -> (0, 0)>
module attributes {stable_mosaic.version = 14 : i64} {
  func.func @body(%arg0: i32, %arg1: i32, %arg2: memref<524288xf32, #tpu.memory_space<hbm>>, %arg3: memref<8192xi32, #tpu.memory_space<hbm>>, %arg4: memref<8192xi32, #tpu.memory_space<hbm>>, %arg5: memref<256xi32, #tpu.memory_space<hbm>>, %arg6: memref<16xi32, #tpu.memory_space<hbm>>, %arg7: memref<4096xf32, #tpu.memory_space<hbm>>, %arg8: memref<64xf32, #tpu.memory_space<hbm>>, %arg9: memref<64xf32, #tpu.memory_space<hbm>>, %arg10: memref<34x16xf32, #tpu.memory_space<hbm>>, %arg11: memref<256xi32, #tpu.memory_space<vmem>>, %arg12: memref<256xi32, #tpu.memory_space<vmem>>, %arg13: memref<16xi32, #tpu.memory_space<vmem>>, %arg14: memref<256xi32, #tpu.memory_space<vmem>>, %arg15: memref<256xi32, #tpu.memory_space<vmem>>, %arg16: memref<256xf32, #tpu.memory_space<vmem>>, %arg17: memref<256xf32, #tpu.memory_space<vmem>>, %arg18: memref<16xf32, #tpu.memory_space<vmem>>, %arg19: memref<16xi32, #tpu.memory_space<vmem>>, %arg20: memref<16xi32, #tpu.memory_space<vmem>>, %arg21: memref<16xf32, #tpu.memory_space<vmem>>, %arg22: memref<16xi32, #tpu.memory_space<vmem>>, %arg23: memref<!tpu.dma_semaphore, #tpu.memory_space<semaphore_mem>>) attributes {dimension_semantics = [#tpu.dimension_semantics<core_parallel>, #tpu.dimension_semantics<subcore_parallel>], iteration_bounds = array<i64: 2, 16>, scalar_prefetch = 0 : i64, scratch_operands = 13 : i64, tpu.core_type = #tpu.core_type<sc_vector_subcore>, window_params = [{transform_indices = #map}, {transform_indices = #map}, {transform_indices = #map}, {transform_indices = #map}, {transform_indices = #map}, {transform_indices = #map}, {transform_indices = #map}, {transform_indices = #map}, {transform_indices = #map1}]} {
    %mul3A = arith.constant 2 : i32
    %mul3A_0 = arith.muli %arg1, %mul3A : i32
    %add3A = arith.addi %mul3A_0, %arg0 : i32
    %jit3A = arith.constant 2 : i32
    %div3A = arith.divsi %add3A, %jit3A : i32
    %sign3A = arith.constant 0 : i32
    %sign3A_1 = arith.cmpi sgt, %add3A, %sign3A : i32
    %sign3A_2 = arith.extui %sign3A_1 : i1 to i32
    %sign3A_3 = arith.constant 0 : i32
    %sign3A_4 = arith.cmpi slt, %add3A, %sign3A_3 : i32
    %sign3A_5 = arith.extui %sign3A_4 : i1 to i32
    %sign3A_6 = arith.subi %sign3A_2, %sign3A_5 : i32
    %sign3A_7 = arith.constant 0 : i32
    %sign3A_8 = arith.cmpi sgt, %jit3A, %sign3A_7 : i32
    %sign3A_9 = arith.extui %sign3A_8 : i1 to i32
    %sign3A_10 = arith.constant 0 : i32
    %sign3A_11 = arith.cmpi slt, %jit3A, %sign3A_10 : i32
    %sign3A_12 = arith.extui %sign3A_11 : i1 to i32
    %sign3A_13 = arith.subi %sign3A_9, %sign3A_12 : i32
    %ne3A = arith.cmpi ne, %sign3A_6, %sign3A_13 : i32
    %rem3A = arith.remsi %add3A, %jit3A : i32
    %ne3A_14 = arith.constant 0 : i32
    %ne3A_15 = arith.cmpi ne, %rem3A, %ne3A_14 : i32
    %and3A = arith.andi %ne3A, %ne3A_15 : i1
    %sub3A = arith.constant 1 : i32
    %sub3A_16 = arith.subi %div3A, %sub3A : i32
    %select_n3A = arith.select %and3A, %sub3A_16, %div3A : i32
    %jit3A_17 = arith.constant 2 : i32
    %eq3A = arith.constant 0 : i32
    %eq3A_18 = arith.cmpi eq, %jit3A_17, %eq3A : i32
    %jit3A_19 = arith.constant 1 : i32
    %select_n3A_20 = arith.select %eq3A_18, %jit3A_19, %jit3A_17 : i32
    %rem3A_21 = arith.remsi %add3A, %select_n3A_20 : i32
    %ne3A_22 = arith.constant 0 : i32
    %ne3A_23 = arith.cmpi ne, %rem3A_21, %ne3A_22 : i32
    %lt3A = arith.constant 0 : i32
    %lt3A_24 = arith.cmpi slt, %rem3A_21, %lt3A : i32
    %lt3A_25 = arith.constant 0 : i32
    %lt3A_26 = arith.cmpi slt, %select_n3A_20, %lt3A_25 : i32
    %ne3A_27 = arith.xori %lt3A_24, %lt3A_26 : i1
    %and3A_28 = arith.andi %ne3A_27, %ne3A_23 : i1
    %add3A_29 = arith.addi %rem3A_21, %select_n3A_20 : i32
    %select_n3A_30 = arith.select %and3A_28, %add3A_29, %rem3A_21 : i32
    %mul3A_31 = arith.constant 256 : i32
    %mul3A_32 = arith.muli %select_n3A_30, %mul3A_31 : i32
    %mul3A_33 = arith.constant 512 : i32
    %mul3A_34 = arith.muli %select_n3A, %mul3A_33 : i32
    %add3A_35 = arith.addi %mul3A_34, %mul3A_32 : i32
    %dma_start3A = tpu.memref_slice %arg3[%add3A_35] : memref<8192xi32, #tpu.memory_space<hbm>> -> memref<256xi32, #tpu.memory_space<hbm>>
    %dma_start3A_36 = tpu.memref_slice %arg3[%add3A_35] : memref<8192xi32, #tpu.memory_space<hbm>> -> memref<256xi32, #tpu.memory_space<hbm>>
    tpu.enqueue_dma source(%dma_start3A_36 : memref<256xi32, #tpu.memory_space<hbm>>) target(%arg11 : memref<256xi32, #tpu.memory_space<vmem>>) target_semaphore(%arg23 : memref<!tpu.dma_semaphore, #tpu.memory_space<semaphore_mem>>)
    %mul3A_37 = arith.constant 512 : i32
    %mul3A_38 = arith.muli %select_n3A, %mul3A_37 : i32
    %add3A_39 = arith.addi %mul3A_38, %mul3A_32 : i32
    %dma_start3A_40 = tpu.memref_slice %arg4[%add3A_39] : memref<8192xi32, #tpu.memory_space<hbm>> -> memref<256xi32, #tpu.memory_space<hbm>>
    %dma_start3A_41 = tpu.memref_slice %arg4[%add3A_39] : memref<8192xi32, #tpu.memory_space<hbm>> -> memref<256xi32, #tpu.memory_space<hbm>>
    tpu.enqueue_dma source(%dma_start3A_41 : memref<256xi32, #tpu.memory_space<hbm>>) target(%arg12 : memref<256xi32, #tpu.memory_space<vmem>>) target_semaphore(%arg23 : memref<!tpu.dma_semaphore, #tpu.memory_space<semaphore_mem>>)
    %mul3A_42 = arith.constant 16 : i32
    %mul3A_43 = arith.muli %select_n3A, %mul3A_42 : i32
    %dma_start3A_44 = tpu.memref_slice %arg5[%mul3A_43] : memref<256xi32, #tpu.memory_space<hbm>> -> memref<16xi32, #tpu.memory_space<hbm>>
    %dma_start3A_45 = tpu.memref_slice %arg5[%mul3A_43] : memref<256xi32, #tpu.memory_space<hbm>> -> memref<16xi32, #tpu.memory_space<hbm>>
    tpu.enqueue_dma source(%dma_start3A_45 : memref<16xi32, #tpu.memory_space<hbm>>) target(%arg13 : memref<16xi32, #tpu.memory_space<vmem>>) target_semaphore(%arg23 : memref<!tpu.dma_semaphore, #tpu.memory_space<semaphore_mem>>)
    %dma_wait3A = tpu.memref_slice %arg3[%add3A_35] : memref<8192xi32, #tpu.memory_space<hbm>> -> memref<256xi32, #tpu.memory_space<hbm>>
    %dma_wait3A_46 = tpu.memref_slice %arg3[%add3A_35] : memref<8192xi32, #tpu.memory_space<hbm>> -> memref<256xi32, #tpu.memory_space<hbm>>
    tpu.wait_dma2 semaphore(%arg23 : memref<!tpu.dma_semaphore, #tpu.memory_space<semaphore_mem>>) src(%dma_wait3A_46 : memref<256xi32, #tpu.memory_space<hbm>>) dst(%arg11 : memref<256xi32, #tpu.memory_space<vmem>>)
    %dma_wait3A_47 = tpu.memref_slice %arg4[%add3A_39] : memref<8192xi32, #tpu.memory_space<hbm>> -> memref<256xi32, #tpu.memory_space<hbm>>
    %dma_wait3A_48 = tpu.memref_slice %arg4[%add3A_39] : memref<8192xi32, #tpu.memory_space<hbm>> -> memref<256xi32, #tpu.memory_space<hbm>>
    tpu.wait_dma2 semaphore(%arg23 : memref<!tpu.dma_semaphore, #tpu.memory_space<semaphore_mem>>) src(%dma_wait3A_48 : memref<256xi32, #tpu.memory_space<hbm>>) dst(%arg12 : memref<256xi32, #tpu.memory_space<vmem>>)
    %dma_wait3A_49 = tpu.memref_slice %arg5[%mul3A_43] : memref<256xi32, #tpu.memory_space<hbm>> -> memref<16xi32, #tpu.memory_space<hbm>>
    %dma_wait3A_50 = tpu.memref_slice %arg5[%mul3A_43] : memref<256xi32, #tpu.memory_space<hbm>> -> memref<16xi32, #tpu.memory_space<hbm>>
    tpu.wait_dma2 semaphore(%arg23 : memref<!tpu.dma_semaphore, #tpu.memory_space<semaphore_mem>>) src(%dma_wait3A_50 : memref<16xi32, #tpu.memory_space<hbm>>) dst(%arg13 : memref<16xi32, #tpu.memory_space<vmem>>)
    %get3A = arith.constant 0 : index
    %get3A_51 = tpu.vector_load %arg13[%get3A] {strides = array<i32>} : memref<16xi32, #tpu.memory_space<vmem>>, vector<16xi32>,
    %get3A_52 = vector.shape_cast %get3A_51 : vector<16xi32> to vector<16xi32>
    %mul3A_53 = arith.constant 512 : i32
    %mul3A_54 = arith.muli %select_n3A, %mul3A_53 : i32
    %add3A_55 = arith.addi %mul3A_54, %mul3A_32 : i32
    %mul3A_56 = arith.constant 64 : i32
    %mul3A_57 = arith.muli %add3A_55, %mul3A_56 : i32
    %get3A_58 = arith.constant 0 : index
    %get3A_59 = tpu.vector_load %arg11[%get3A_58] {strides = array<i32>} : memref<256xi32, #tpu.memory_space<vmem>>, vector<16xi32>,
    %get3A_60 = vector.shape_cast %get3A_59 : vector<16xi32> to vector<16xi32>
    %get3A_61 = arith.constant 0 : index
    %get3A_62 = tpu.vector_load %arg12[%get3A_61] {strides = array<i32>} : memref<256xi32, #tpu.memory_space<vmem>>, vector<16xi32>,
    %get3A_63 = vector.shape_cast %get3A_62 : vector<16xi32> to vector<16xi32>
    %iota3A = tpu.iota {dimensions = array<i32: 0>} : vector<16xi32>
    %add3A_64 = arith.constant 0 : i32
    %add3A_65 = vector.broadcast %add3A_64 : i32 to vector<16xi32>
    %add3A_66 = arith.addi %iota3A, %add3A_65 : vector<16xi32>
    %mul3A_67 = arith.constant 64 : i32
    %mul3A_68 = vector.broadcast %mul3A_67 : i32 to vector<16xi32>
    %mul3A_69 = arith.muli %add3A_66, %mul3A_68 : vector<16xi32>
    %add3A_70 = vector.broadcast %mul3A_57 : i32 to vector<16xi32>
    %add3A_71 = arith.addi %add3A_70, %mul3A_69 : vector<16xi32>
    %add3A_72 = arith.addi %add3A_71, %get3A_60 : vector<16xi32>
    %swap3A = arith.constant 0 : index
    %swap3A_73 = tpu.vector_load %arg14[%swap3A] {strides = array<i32>} : memref<256xi32, #tpu.memory_space<vmem>>, vector<16xi32>,
    %swap3A_74 = vector.shape_cast %swap3A_73 : vector<16xi32> to vector<16xi32>
    %swap3A_75 = vector.shape_cast %add3A_72 : vector<16xi32> to vector<16xi32>
    tpu.vector_store %arg14[%swap3A], %swap3A_75 {strides = array<i32>} : memref<256xi32, #tpu.memory_space<vmem>>, vector<16xi32>,
    %mul3A_76 = arith.constant 64 : i32
    %mul3A_77 = vector.broadcast %mul3A_76 : i32 to vector<16xi32>
    %mul3A_78 = arith.muli %get3A_60, %mul3A_77 : vector<16xi32>
    %add3A_79 = arith.addi %mul3A_78, %get3A_63 : vector<16xi32>
    %swap3A_80 = arith.constant 0 : index
    %swap3A_81 = tpu.vector_load %arg15[%swap3A_80] {strides = array<i32>} : memref<256xi32, #tpu.memory_space<vmem>>, vector<16xi32>,
    %swap3A_82 = vector.shape_cast %swap3A_81 : vector<16xi32> to vector<16xi32>
    %swap3A_83 = vector.shape_cast %add3A_79 : vector<16xi32> to vector<16xi32>
    tpu.vector_store %arg15[%swap3A_80], %swap3A_83 {strides = array<i32>} : memref<256xi32, #tpu.memory_space<vmem>>, vector<16xi32>,
    %get3A_84 = arith.constant 16 : index
    %get3A_85 = tpu.vector_load %arg11[%get3A_84] {strides = array<i32>} : memref<256xi32, #tpu.memory_space<vmem>>, vector<16xi32>,
    %get3A_86 = vector.shape_cast %get3A_85 : vector<16xi32> to vector<16xi32>
    %get3A_87 = arith.constant 16 : index
    %get3A_88 = tpu.vector_load %arg12[%get3A_87] {strides = array<i32>} : memref<256xi32, #tpu.memory_space<vmem>>, vector<16xi32>,
    %get3A_89 = vector.shape_cast %get3A_88 : vector<16xi32> to vector<16xi32>
    %iota3A_90 = tpu.iota {dimensions = array<i32: 0>} : vector<16xi32>
    %add3A_91 = arith.constant 16 : i32
    %add3A_92 = vector.broadcast %add3A_91 : i32 to vector<16xi32>
    %add3A_93 = arith.addi %iota3A_90, %add3A_92 : vector<16xi32>
    %mul3A_94 = arith.constant 64 : i32
    %mul3A_95 = vector.broadcast %mul3A_94 : i32 to vector<16xi32>
    %mul3A_96 = arith.muli %add3A_93, %mul3A_95 : vector<16xi32>
    %add3A_97 = vector.broadcast %mul3A_57 : i32 to vector<16xi32>
    %add3A_98 = arith.addi %add3A_97, %mul3A_96 : vector<16xi32>
    %add3A_99 = arith.addi %add3A_98, %get3A_86 : vector<16xi32>
    %swap3A_100 = arith.constant 16 : index
    %swap3A_101 = tpu.vector_load %arg14[%swap3A_100] {strides = array<i32>} : memref<256xi32, #tpu.memory_space<vmem>>, vector<16xi32>,
    %swap3A_102 = vector.shape_cast %swap3A_101 : vector<16xi32> to vector<16xi32>
    %swap3A_103 = vector.shape_cast %add3A_99 : vector<16xi32> to vector<16xi32>
    tpu.vector_store %arg14[%swap3A_100], %swap3A_103 {strides = array<i32>} : memref<256xi32, #tpu.memory_space<vmem>>, vector<16xi32>,
    %mul3A_104 = arith.constant 64 : i32
    %mul3A_105 = vector.broadcast %mul3A_104 : i32 to vector<16xi32>
    %mul3A_106 = arith.muli %get3A_86, %mul3A_105 : vector<16xi32>
    %add3A_107 = arith.addi %mul3A_106, %get3A_89 : vector<16xi32>
    %swap3A_108 = arith.constant 16 : index
    %swap3A_109 = tpu.vector_load %arg15[%swap3A_108] {strides = array<i32>} : memref<256xi32, #tpu.memory_space<vmem>>, vector<16xi32>,
    %swap3A_110 = vector.shape_cast %swap3A_109 : vector<16xi32> to vector<16xi32>
    %swap3A_111 = vector.shape_cast %add3A_107 : vector<16xi32> to vector<16xi32>
    tpu.vector_store %arg15[%swap3A_108], %swap3A_111 {strides = array<i32>} : memref<256xi32, #tpu.memory_space<vmem>>, vector<16xi32>,
    %get3A_112 = arith.constant 32 : index
    %get3A_113 = tpu.vector_load %arg11[%get3A_112] {strides = array<i32>} : memref<256xi32, #tpu.memory_space<vmem>>, vector<16xi32>,
    %get3A_114 = vector.shape_cast %get3A_113 : vector<16xi32> to vector<16xi32>
    %get3A_115 = arith.constant 32 : index
    %get3A_116 = tpu.vector_load %arg12[%get3A_115] {strides = array<i32>} : memref<256xi32, #tpu.memory_space<vmem>>, vector<16xi32>,
    %get3A_117 = vector.shape_cast %get3A_116 : vector<16xi32> to vector<16xi32>
    %iota3A_118 = tpu.iota {dimensions = array<i32: 0>} : vector<16xi32>
    %add3A_119 = arith.constant 32 : i32
    %add3A_120 = vector.broadcast %add3A_119 : i32 to vector<16xi32>
    %add3A_121 = arith.addi %iota3A_118, %add3A_120 : vector<16xi32>
    %mul3A_122 = arith.constant 64 : i32
    %mul3A_123 = vector.broadcast %mul3A_122 : i32 to vector<16xi32>
    %mul3A_124 = arith.muli %add3A_121, %mul3A_123 : vector<16xi32>
    %add3A_125 = vector.broadcast %mul3A_57 : i32 to vector<16xi32>
    %add3A_126 = arith.addi %add3A_125, %mul3A_124 : vector<16xi32>
    %add3A_127 = arith.addi %add3A_126, %get3A_114 : vector<16xi32>
    %swap3A_128 = arith.constant 32 : index
    %swap3A_129 = tpu.vector_load %arg14[%swap3A_128] {strides = array<i32>} : memref<256xi32, #tpu.memory_space<vmem>>, vector<16xi32>,
    %swap3A_130 = vector.shape_cast %swap3A_129 : vector<16xi32> to vector<16xi32>
    %swap3A_131 = vector.shape_cast %add3A_127 : vector<16xi32> to vector<16xi32>
    tpu.vector_store %arg14[%swap3A_128], %swap3A_131 {strides = array<i32>} : memref<256xi32, #tpu.memory_space<vmem>>, vector<16xi32>,
    %mul3A_132 = arith.constant 64 : i32
    %mul3A_133 = vector.broadcast %mul3A_132 : i32 to vector<16xi32>
    %mul3A_134 = arith.muli %get3A_114, %mul3A_133 : vector<16xi32>
    %add3A_135 = arith.addi %mul3A_134, %get3A_117 : vector<16xi32>
    %swap3A_136 = arith.constant 32 : index
    %swap3A_137 = tpu.vector_load %arg15[%swap3A_136] {strides = array<i32>} : memref<256xi32, #tpu.memory_space<vmem>>, vector<16xi32>,
    %swap3A_138 = vector.shape_cast %swap3A_137 : vector<16xi32> to vector<16xi32>
    %swap3A_139 = vector.shape_cast %add3A_135 : vector<16xi32> to vector<16xi32>
    tpu.vector_store %arg15[%swap3A_136], %swap3A_139 {strides = array<i32>} : memref<256xi32, #tpu.memory_space<vmem>>, vector<16xi32>,
    %get3A_140 = arith.constant 48 : index
    %get3A_141 = tpu.vector_load %arg11[%get3A_140] {strides = array<i32>} : memref<256xi32, #tpu.memory_space<vmem>>, vector<16xi32>,
    %get3A_142 = vector.shape_cast %get3A_141 : vector<16xi32> to vector<16xi32>
    %get3A_143 = arith.constant 48 : index
    %get3A_144 = tpu.vector_load %arg12[%get3A_143] {strides = array<i32>} : memref<256xi32, #tpu.memory_space<vmem>>, vector<16xi32>,
    %get3A_145 = vector.shape_cast %get3A_144 : vector<16xi32> to vector<16xi32>
    %iota3A_146 = tpu.iota {dimensions = array<i32: 0>} : vector<16xi32>
    %add3A_147 = arith.constant 48 : i32
    %add3A_148 = vector.broadcast %add3A_147 : i32 to vector<16xi32>
    %add3A_149 = arith.addi %iota3A_146, %add3A_148 : vector<16xi32>
    %mul3A_150 = arith.constant 64 : i32
    %mul3A_151 = vector.broadcast %mul3A_150 : i32 to vector<16xi32>
    %mul3A_152 = arith.muli %add3A_149, %mul3A_151 : vector<16xi32>
    %add3A_153 = vector.broadcast %mul3A_57 : i32 to vector<16xi32>
    %add3A_154 = arith.addi %add3A_153, %mul3A_152 : vector<16xi32>
    %add3A_155 = arith.addi %add3A_154, %get3A_142 : vector<16xi32>
    %swap3A_156 = arith.constant 48 : index
    %swap3A_157 = tpu.vector_load %arg14[%swap3A_156] {strides = array<i32>} : memref<256xi32, #tpu.memory_space<vmem>>, vector<16xi32>,
    %swap3A_158 = vector.shape_cast %swap3A_157 : vector<16xi32> to vector<16xi32>
    %swap3A_159 = vector.shape_cast %add3A_155 : vector<16xi32> to vector<16xi32>
    tpu.vector_store %arg14[%swap3A_156], %swap3A_159 {strides = array<i32>} : memref<256xi32, #tpu.memory_space<vmem>>, vector<16xi32>,
    %mul3A_160 = arith.constant 64 : i32
    %mul3A_161 = vector.broadcast %mul3A_160 : i32 to vector<16xi32>
    %mul3A_162 = arith.muli %get3A_142, %mul3A_161 : vector<16xi32>
    %add3A_163 = arith.addi %mul3A_162, %get3A_145 : vector<16xi32>
    %swap3A_164 = arith.constant 48 : index
    %swap3A_165 = tpu.vector_load %arg15[%swap3A_164] {strides = array<i32>} : memref<256xi32, #tpu.memory_space<vmem>>, vector<16xi32>,
    %swap3A_166 = vector.shape_cast %swap3A_165 : vector<16xi32> to vector<16xi32>
    %swap3A_167 = vector.shape_cast %add3A_163 : vector<16xi32> to vector<16xi32>
    tpu.vector_store %arg15[%swap3A_164], %swap3A_167 {strides = array<i32>} : memref<256xi32, #tpu.memory_space<vmem>>, vector<16xi32>,
    %get3A_168 = arith.constant 64 : index
    %get3A_169 = tpu.vector_load %arg11[%get3A_168] {strides = array<i32>} : memref<256xi32, #tpu.memory_space<vmem>>, vector<16xi32>,
    %get3A_170 = vector.shape_cast %get3A_169 : vector<16xi32> to vector<16xi32>
    %get3A_171 = arith.constant 64 : index
    %get3A_172 = tpu.vector_load %arg12[%get3A_171] {strides = array<i32>} : memref<256xi32, #tpu.memory_space<vmem>>, vector<16xi32>,
    %get3A_173 = vector.shape_cast %get3A_172 : vector<16xi32> to vector<16xi32>
    %iota3A_174 = tpu.iota {dimensions = array<i32: 0>} : vector<16xi32>
    %add3A_175 = arith.constant 64 : i32
    %add3A_176 = vector.broadcast %add3A_175 : i32 to vector<16xi32>
    %add3A_177 = arith.addi %iota3A_174, %add3A_176 : vector<16xi32>
    %mul3A_178 = arith.constant 64 : i32
    %mul3A_179 = vector.broadcast %mul3A_178 : i32 to vector<16xi32>
    %mul3A_180 = arith.muli %add3A_177, %mul3A_179 : vector<16xi32>
    %add3A_181 = vector.broadcast %mul3A_57 : i32 to vector<16xi32>
    %add3A_182 = arith.addi %add3A_181, %mul3A_180 : vector<16xi32>
    %add3A_183 = arith.addi %add3A_182, %get3A_170 : vector<16xi32>
    %swap3A_184 = arith.constant 64 : index
    %swap3A_185 = tpu.vector_load %arg14[%swap3A_184] {strides = array<i32>} : memref<256xi32, #tpu.memory_space<vmem>>, vector<16xi32>,
    %swap3A_186 = vector.shape_cast %swap3A_185 : vector<16xi32> to vector<16xi32>
    %swap3A_187 = vector.shape_cast %add3A_183 : vector<16xi32> to vector<16xi32>
    tpu.vector_store %arg14[%swap3A_184], %swap3A_187 {strides = array<i32>} : memref<256xi32, #tpu.memory_space<vmem>>, vector<16xi32>,
    %mul3A_188 = arith.constant 64 : i32
    %mul3A_189 = vector.broadcast %mul3A_188 : i32 to vector<16xi32>
    %mul3A_190 = arith.muli %get3A_170, %mul3A_189 : vector<16xi32>
    %add3A_191 = arith.addi %mul3A_190, %get3A_173 : vector<16xi32>
    %swap3A_192 = arith.constant 64 : index
    %swap3A_193 = tpu.vector_load %arg15[%swap3A_192] {strides = array<i32>} : memref<256xi32, #tpu.memory_space<vmem>>, vector<16xi32>,
    %swap3A_194 = vector.shape_cast %swap3A_193 : vector<16xi32> to vector<16xi32>
    %swap3A_195 = vector.shape_cast %add3A_191 : vector<16xi32> to vector<16xi32>
    tpu.vector_store %arg15[%swap3A_192], %swap3A_195 {strides = array<i32>} : memref<256xi32, #tpu.memory_space<vmem>>, vector<16xi32>,
    %get3A_196 = arith.constant 80 : index
    %get3A_197 = tpu.vector_load %arg11[%get3A_196] {strides = array<i32>} : memref<256xi32, #tpu.memory_space<vmem>>, vector<16xi32>,
    %get3A_198 = vector.shape_cast %get3A_197 : vector<16xi32> to vector<16xi32>
    %get3A_199 = arith.constant 80 : index
    %get3A_200 = tpu.vector_load %arg12[%get3A_199] {strides = array<i32>} : memref<256xi32, #tpu.memory_space<vmem>>, vector<16xi32>,
    %get3A_201 = vector.shape_cast %get3A_200 : vector<16xi32> to vector<16xi32>
    %iota3A_202 = tpu.iota {dimensions = array<i32: 0>} : vector<16xi32>
    %add3A_203 = arith.constant 80 : i32
    %add3A_204 = vector.broadcast %add3A_203 : i32 to vector<16xi32>
    %add3A_205 = arith.addi %iota3A_202, %add3A_204 : vector<16xi32>
    %mul3A_206 = arith.constant 64 : i32
    %mul3A_207 = vector.broadcast %mul3A_206 : i32 to vector<16xi32>
    %mul3A_208 = arith.muli %add3A_205, %mul3A_207 : vector<16xi32>
    %add3A_209 = vector.broadcast %mul3A_57 : i32 to vector<16xi32>
    %add3A_210 = arith.addi %add3A_209, %mul3A_208 : vector<16xi32>
    %add3A_211 = arith.addi %add3A_210, %get3A_198 : vector<16xi32>
    %swap3A_212 = arith.constant 80 : index
    %swap3A_213 = tpu.vector_load %arg14[%swap3A_212] {strides = array<i32>} : memref<256xi32, #tpu.memory_space<vmem>>, vector<16xi32>,
    %swap3A_214 = vector.shape_cast %swap3A_213 : vector<16xi32> to vector<16xi32>
    %swap3A_215 = vector.shape_cast %add3A_211 : vector<16xi32> to vector<16xi32>
    tpu.vector_store %arg14[%swap3A_212], %swap3A_215 {strides = array<i32>} : memref<256xi32, #tpu.memory_space<vmem>>, vector<16xi32>,
    %mul3A_216 = arith.constant 64 : i32
    %mul3A_217 = vector.broadcast %mul3A_216 : i32 to vector<16xi32>
    %mul3A_218 = arith.muli %get3A_198, %mul3A_217 : vector<16xi32>
    %add3A_219 = arith.addi %mul3A_218, %get3A_201 : vector<16xi32>
    %swap3A_220 = arith.constant 80 : index
    %swap3A_221 = tpu.vector_load %arg15[%swap3A_220] {strides = array<i32>} : memref<256xi32, #tpu.memory_space<vmem>>, vector<16xi32>,
    %swap3A_222 = vector.shape_cast %swap3A_221 : vector<16xi32> to vector<16xi32>
    %swap3A_223 = vector.shape_cast %add3A_219 : vector<16xi32> to vector<16xi32>
    tpu.vector_store %arg15[%swap3A_220], %swap3A_223 {strides = array<i32>} : memref<256xi32, #tpu.memory_space<vmem>>, vector<16xi32>,
    %get3A_224 = arith.constant 96 : index
    %get3A_225 = tpu.vector_load %arg11[%get3A_224] {strides = array<i32>} : memref<256xi32, #tpu.memory_space<vmem>>, vector<16xi32>,
    %get3A_226 = vector.shape_cast %get3A_225 : vector<16xi32> to vector<16xi32>
    %get3A_227 = arith.constant 96 : index
    %get3A_228 = tpu.vector_load %arg12[%get3A_227] {strides = array<i32>} : memref<256xi32, #tpu.memory_space<vmem>>, vector<16xi32>,
    %get3A_229 = vector.shape_cast %get3A_228 : vector<16xi32> to vector<16xi32>
    %iota3A_230 = tpu.iota {dimensions = array<i32: 0>} : vector<16xi32>
    %add3A_231 = arith.constant 96 : i32
    %add3A_232 = vector.broadcast %add3A_231 : i32 to vector<16xi32>
    %add3A_233 = arith.addi %iota3A_230, %add3A_232 : vector<16xi32>
    %mul3A_234 = arith.constant 64 : i32
    %mul3A_235 = vector.broadcast %mul3A_234 : i32 to vector<16xi32>
    %mul3A_236 = arith.muli %add3A_233, %mul3A_235 : vector<16xi32>
    %add3A_237 = vector.broadcast %mul3A_57 : i32 to vector<16xi32>
    %add3A_238 = arith.addi %add3A_237, %mul3A_236 : vector<16xi32>
    %add3A_239 = arith.addi %add3A_238, %get3A_226 : vector<16xi32>
    %swap3A_240 = arith.constant 96 : index
    %swap3A_241 = tpu.vector_load %arg14[%swap3A_240] {strides = array<i32>} : memref<256xi32, #tpu.memory_space<vmem>>, vector<16xi32>,
    %swap3A_242 = vector.shape_cast %swap3A_241 : vector<16xi32> to vector<16xi32>
    %swap3A_243 = vector.shape_cast %add3A_239 : vector<16xi32> to vector<16xi32>
    tpu.vector_store %arg14[%swap3A_240], %swap3A_243 {strides = array<i32>} : memref<256xi32, #tpu.memory_space<vmem>>, vector<16xi32>,
    %mul3A_244 = arith.constant 64 : i32
    %mul3A_245 = vector.broadcast %mul3A_244 : i32 to vector<16xi32>
    %mul3A_246 = arith.muli %get3A_226, %mul3A_245 : vector<16xi32>
    %add3A_247 = arith.addi %mul3A_246, %get3A_229 : vector<16xi32>
    %swap3A_248 = arith.constant 96 : index
    %swap3A_249 = tpu.vector_load %arg15[%swap3A_248] {strides = array<i32>} : memref<256xi32, #tpu.memory_space<vmem>>, vector<16xi32>,
    %swap3A_250 = vector.shape_cast %swap3A_249 : vector<16xi32> to vector<16xi32>
    %swap3A_251 = vector.shape_cast %add3A_247 : vector<16xi32> to vector<16xi32>
    tpu.vector_store %arg15[%swap3A_248], %swap3A_251 {strides = array<i32>} : memref<256xi32, #tpu.memory_space<vmem>>, vector<16xi32>,
    %get3A_252 = arith.constant 112 : index
    %get3A_253 = tpu.vector_load %arg11[%get3A_252] {strides = array<i32>} : memref<256xi32, #tpu.memory_space<vmem>>, vector<16xi32>,
    %get3A_254 = vector.shape_cast %get3A_253 : vector<16xi32> to vector<16xi32>
    %get3A_255 = arith.constant 112 : index
    %get3A_256 = tpu.vector_load %arg12[%get3A_255] {strides = array<i32>} : memref<256xi32, #tpu.memory_space<vmem>>, vector<16xi32>,
    %get3A_257 = vector.shape_cast %get3A_256 : vector<16xi32> to vector<16xi32>
    %iota3A_258 = tpu.iota {dimensions = array<i32: 0>} : vector<16xi32>
    %add3A_259 = arith.constant 112 : i32
    %add3A_260 = vector.broadcast %add3A_259 : i32 to vector<16xi32>
    %add3A_261 = arith.addi %iota3A_258, %add3A_260 : vector<16xi32>
    %mul3A_262 = arith.constant 64 : i32
    %mul3A_263 = vector.broadcast %mul3A_262 : i32 to vector<16xi32>
    %mul3A_264 = arith.muli %add3A_261, %mul3A_263 : vector<16xi32>
    %add3A_265 = vector.broadcast %mul3A_57 : i32 to vector<16xi32>
    %add3A_266 = arith.addi %add3A_265, %mul3A_264 : vector<16xi32>
    %add3A_267 = arith.addi %add3A_266, %get3A_254 : vector<16xi32>
    %swap3A_268 = arith.constant 112 : index
    %swap3A_269 = tpu.vector_load %arg14[%swap3A_268] {strides = array<i32>} : memref<256xi32, #tpu.memory_space<vmem>>, vector<16xi32>,
    %swap3A_270 = vector.shape_cast %swap3A_269 : vector<16xi32> to vector<16xi32>
    %swap3A_271 = vector.shape_cast %add3A_267 : vector<16xi32> to vector<16xi32>
    tpu.vector_store %arg14[%swap3A_268], %swap3A_271 {strides = array<i32>} : memref<256xi32, #tpu.memory_space<vmem>>, vector<16xi32>,
    %mul3A_272 = arith.constant 64 : i32
    %mul3A_273 = vector.broadcast %mul3A_272 : i32 to vector<16xi32>
    %mul3A_274 = arith.muli %get3A_254, %mul3A_273 : vector<16xi32>
    %add3A_275 = arith.addi %mul3A_274, %get3A_257 : vector<16xi32>
    %swap3A_276 = arith.constant 112 : index
    %swap3A_277 = tpu.vector_load %arg15[%swap3A_276] {strides = array<i32>} : memref<256xi32, #tpu.memory_space<vmem>>, vector<16xi32>,
    %swap3A_278 = vector.shape_cast %swap3A_277 : vector<16xi32> to vector<16xi32>
    %swap3A_279 = vector.shape_cast %add3A_275 : vector<16xi32> to vector<16xi32>
    tpu.vector_store %arg15[%swap3A_276], %swap3A_279 {strides = array<i32>} : memref<256xi32, #tpu.memory_space<vmem>>, vector<16xi32>,
    %get3A_280 = arith.constant 128 : index
    %get3A_281 = tpu.vector_load %arg11[%get3A_280] {strides = array<i32>} : memref<256xi32, #tpu.memory_space<vmem>>, vector<16xi32>,
    %get3A_282 = vector.shape_cast %get3A_281 : vector<16xi32> to vector<16xi32>
    %get3A_283 = arith.constant 128 : index
    %get3A_284 = tpu.vector_load %arg12[%get3A_283] {strides = array<i32>} : memref<256xi32, #tpu.memory_space<vmem>>, vector<16xi32>,
    %get3A_285 = vector.shape_cast %get3A_284 : vector<16xi32> to vector<16xi32>
    %iota3A_286 = tpu.iota {dimensions = array<i32: 0>} : vector<16xi32>
    %add3A_287 = arith.constant 128 : i32
    %add3A_288 = vector.broadcast %add3A_287 : i32 to vector<16xi32>
    %add3A_289 = arith.addi %iota3A_286, %add3A_288 : vector<16xi32>
    %mul3A_290 = arith.constant 64 : i32
    %mul3A_291 = vector.broadcast %mul3A_290 : i32 to vector<16xi32>
    %mul3A_292 = arith.muli %add3A_289, %mul3A_291 : vector<16xi32>
    %add3A_293 = vector.broadcast %mul3A_57 : i32 to vector<16xi32>
    %add3A_294 = arith.addi %add3A_293, %mul3A_292 : vector<16xi32>
    %add3A_295 = arith.addi %add3A_294, %get3A_282 : vector<16xi32>
    %swap3A_296 = arith.constant 128 : index
    %swap3A_297 = tpu.vector_load %arg14[%swap3A_296] {strides = array<i32>} : memref<256xi32, #tpu.memory_space<vmem>>, vector<16xi32>,
    %swap3A_298 = vector.shape_cast %swap3A_297 : vector<16xi32> to vector<16xi32>
    %swap3A_299 = vector.shape_cast %add3A_295 : vector<16xi32> to vector<16xi32>
    tpu.vector_store %arg14[%swap3A_296], %swap3A_299 {strides = array<i32>} : memref<256xi32, #tpu.memory_space<vmem>>, vector<16xi32>,
    %mul3A_300 = arith.constant 64 : i32
    %mul3A_301 = vector.broadcast %mul3A_300 : i32 to vector<16xi32>
    %mul3A_302 = arith.muli %get3A_282, %mul3A_301 : vector<16xi32>
    %add3A_303 = arith.addi %mul3A_302, %get3A_285 : vector<16xi32>
    %swap3A_304 = arith.constant 128 : index
    %swap3A_305 = tpu.vector_load %arg15[%swap3A_304] {strides = array<i32>} : memref<256xi32, #tpu.memory_space<vmem>>, vector<16xi32>,
    %swap3A_306 = vector.shape_cast %swap3A_305 : vector<16xi32> to vector<16xi32>
    %swap3A_307 = vector.shape_cast %add3A_303 : vector<16xi32> to vector<16xi32>
    tpu.vector_store %arg15[%swap3A_304], %swap3A_307 {strides = array<i32>} : memref<256xi32, #tpu.memory_space<vmem>>, vector<16xi32>,
    %get3A_308 = arith.constant 144 : index
    %get3A_309 = tpu.vector_load %arg11[%get3A_308] {strides = array<i32>} : memref<256xi32, #tpu.memory_space<vmem>>, vector<16xi32>,
    %get3A_310 = vector.shape_cast %get3A_309 : vector<16xi32> to vector<16xi32>
    %get3A_311 = arith.constant 144 : index
    %get3A_312 = tpu.vector_load %arg12[%get3A_311] {strides = array<i32>} : memref<256xi32, #tpu.memory_space<vmem>>, vector<16xi32>,
    %get3A_313 = vector.shape_cast %get3A_312 : vector<16xi32> to vector<16xi32>
    %iota3A_314 = tpu.iota {dimensions = array<i32: 0>} : vector<16xi32>
    %add3A_315 = arith.constant 144 : i32
    %add3A_316 = vector.broadcast %add3A_315 : i32 to vector<16xi32>
    %add3A_317 = arith.addi %iota3A_314, %add3A_316 : vector<16xi32>
    %mul3A_318 = arith.constant 64 : i32
    %mul3A_319 = vector.broadcast %mul3A_318 : i32 to vector<16xi32>
    %mul3A_320 = arith.muli %add3A_317, %mul3A_319 : vector<16xi32>
    %add3A_321 = vector.broadcast %mul3A_57 : i32 to vector<16xi32>
    %add3A_322 = arith.addi %add3A_321, %mul3A_320 : vector<16xi32>
    %add3A_323 = arith.addi %add3A_322, %get3A_310 : vector<16xi32>
    %swap3A_324 = arith.constant 144 : index
    %swap3A_325 = tpu.vector_load %arg14[%swap3A_324] {strides = array<i32>} : memref<256xi32, #tpu.memory_space<vmem>>, vector<16xi32>,
    %swap3A_326 = vector.shape_cast %swap3A_325 : vector<16xi32> to vector<16xi32>
    %swap3A_327 = vector.shape_cast %add3A_323 : vector<16xi32> to vector<16xi32>
    tpu.vector_store %arg14[%swap3A_324], %swap3A_327 {strides = array<i32>} : memref<256xi32, #tpu.memory_space<vmem>>, vector<16xi32>,
    %mul3A_328 = arith.constant 64 : i32
    %mul3A_329 = vector.broadcast %mul3A_328 : i32 to vector<16xi32>
    %mul3A_330 = arith.muli %get3A_310, %mul3A_329 : vector<16xi32>
    %add3A_331 = arith.addi %mul3A_330, %get3A_313 : vector<16xi32>
    %swap3A_332 = arith.constant 144 : index
    %swap3A_333 = tpu.vector_load %arg15[%swap3A_332] {strides = array<i32>} : memref<256xi32, #tpu.memory_space<vmem>>, vector<16xi32>,
    %swap3A_334 = vector.shape_cast %swap3A_333 : vector<16xi32> to vector<16xi32>
    %swap3A_335 = vector.shape_cast %add3A_331 : vector<16xi32> to vector<16xi32>
    tpu.vector_store %arg15[%swap3A_332], %swap3A_335 {strides = array<i32>} : memref<256xi32, #tpu.memory_space<vmem>>, vector<16xi32>,
    %get3A_336 = arith.constant 160 : index
    %get3A_337 = tpu.vector_load %arg11[%get3A_336] {strides = array<i32>} : memref<256xi32, #tpu.memory_space<vmem>>, vector<16xi32>,
    %get3A_338 = vector.shape_cast %get3A_337 : vector<16xi32> to vector<16xi32>
    %get3A_339 = arith.constant 160 : index
    %get3A_340 = tpu.vector_load %arg12[%get3A_339] {strides = array<i32>} : memref<256xi32, #tpu.memory_space<vmem>>, vector<16xi32>,
    %get3A_341 = vector.shape_cast %get3A_340 : vector<16xi32> to vector<16xi32>
    %iota3A_342 = tpu.iota {dimensions = array<i32: 0>} : vector<16xi32>
    %add3A_343 = arith.constant 160 : i32
    %add3A_344 = vector.broadcast %add3A_343 : i32 to vector<16xi32>
    %add3A_345 = arith.addi %iota3A_342, %add3A_344 : vector<16xi32>
    %mul3A_346 = arith.constant 64 : i32
    %mul3A_347 = vector.broadcast %mul3A_346 : i32 to vector<16xi32>
    %mul3A_348 = arith.muli %add3A_345, %mul3A_347 : vector<16xi32>
    %add3A_349 = vector.broadcast %mul3A_57 : i32 to vector<16xi32>
    %add3A_350 = arith.addi %add3A_349, %mul3A_348 : vector<16xi32>
    %add3A_351 = arith.addi %add3A_350, %get3A_338 : vector<16xi32>
    %swap3A_352 = arith.constant 160 : index
    %swap3A_353 = tpu.vector_load %arg14[%swap3A_352] {strides = array<i32>} : memref<256xi32, #tpu.memory_space<vmem>>, vector<16xi32>,
    %swap3A_354 = vector.shape_cast %swap3A_353 : vector<16xi32> to vector<16xi32>
    %swap3A_355 = vector.shape_cast %add3A_351 : vector<16xi32> to vector<16xi32>
    tpu.vector_store %arg14[%swap3A_352], %swap3A_355 {strides = array<i32>} : memref<256xi32, #tpu.memory_space<vmem>>, vector<16xi32>,
    %mul3A_356 = arith.constant 64 : i32
    %mul3A_357 = vector.broadcast %mul3A_356 : i32 to vector<16xi32>
    %mul3A_358 = arith.muli %get3A_338, %mul3A_357 : vector<16xi32>
    %add3A_359 = arith.addi %mul3A_358, %get3A_341 : vector<16xi32>
    %swap3A_360 = arith.constant 160 : index
    %swap3A_361 = tpu.vector_load %arg15[%swap3A_360] {strides = array<i32>} : memref<256xi32, #tpu.memory_space<vmem>>, vector<16xi32>,
    %swap3A_362 = vector.shape_cast %swap3A_361 : vector<16xi32> to vector<16xi32>
    %swap3A_363 = vector.shape_cast %add3A_359 : vector<16xi32> to vector<16xi32>
    tpu.vector_store %arg15[%swap3A_360], %swap3A_363 {strides = array<i32>} : memref<256xi32, #tpu.memory_space<vmem>>, vector<16xi32>,
    %get3A_364 = arith.constant 176 : index
    %get3A_365 = tpu.vector_load %arg11[%get3A_364] {strides = array<i32>} : memref<256xi32, #tpu.memory_space<vmem>>, vector<16xi32>,
    %get3A_366 = vector.shape_cast %get3A_365 : vector<16xi32> to vector<16xi32>
    %get3A_367 = arith.constant 176 : index
    %get3A_368 = tpu.vector_load %arg12[%get3A_367] {strides = array<i32>} : memref<256xi32, #tpu.memory_space<vmem>>, vector<16xi32>,
    %get3A_369 = vector.shape_cast %get3A_368 : vector<16xi32> to vector<16xi32>
    %iota3A_370 = tpu.iota {dimensions = array<i32: 0>} : vector<16xi32>
    %add3A_371 = arith.constant 176 : i32
    %add3A_372 = vector.broadcast %add3A_371 : i32 to vector<16xi32>
    %add3A_373 = arith.addi %iota3A_370, %add3A_372 : vector<16xi32>
    %mul3A_374 = arith.constant 64 : i32
    %mul3A_375 = vector.broadcast %mul3A_374 : i32 to vector<16xi32>
    %mul3A_376 = arith.muli %add3A_373, %mul3A_375 : vector<16xi32>
    %add3A_377 = vector.broadcast %mul3A_57 : i32 to vector<16xi32>
    %add3A_378 = arith.addi %add3A_377, %mul3A_376 : vector<16xi32>
    %add3A_379 = arith.addi %add3A_378, %get3A_366 : vector<16xi32>
    %swap3A_380 = arith.constant 176 : index
    %swap3A_381 = tpu.vector_load %arg14[%swap3A_380] {strides = array<i32>} : memref<256xi32, #tpu.memory_space<vmem>>, vector<16xi32>,
    %swap3A_382 = vector.shape_cast %swap3A_381 : vector<16xi32> to vector<16xi32>
    %swap3A_383 = vector.shape_cast %add3A_379 : vector<16xi32> to vector<16xi32>
    tpu.vector_store %arg14[%swap3A_380], %swap3A_383 {strides = array<i32>} : memref<256xi32, #tpu.memory_space<vmem>>, vector<16xi32>,
    %mul3A_384 = arith.constant 64 : i32
    %mul3A_385 = vector.broadcast %mul3A_384 : i32 to vector<16xi32>
    %mul3A_386 = arith.muli %get3A_366, %mul3A_385 : vector<16xi32>
    %add3A_387 = arith.addi %mul3A_386, %get3A_369 : vector<16xi32>
    %swap3A_388 = arith.constant 176 : index
    %swap3A_389 = tpu.vector_load %arg15[%swap3A_388] {strides = array<i32>} : memref<256xi32, #tpu.memory_space<vmem>>, vector<16xi32>,
    %swap3A_390 = vector.shape_cast %swap3A_389 : vector<16xi32> to vector<16xi32>
    %swap3A_391 = vector.shape_cast %add3A_387 : vector<16xi32> to vector<16xi32>
    tpu.vector_store %arg15[%swap3A_388], %swap3A_391 {strides = array<i32>} : memref<256xi32, #tpu.memory_space<vmem>>, vector<16xi32>,
    %get3A_392 = arith.constant 192 : index
    %get3A_393 = tpu.vector_load %arg11[%get3A_392] {strides = array<i32>} : memref<256xi32, #tpu.memory_space<vmem>>, vector<16xi32>,
    %get3A_394 = vector.shape_cast %get3A_393 : vector<16xi32> to vector<16xi32>
    %get3A_395 = arith.constant 192 : index
    %get3A_396 = tpu.vector_load %arg12[%get3A_395] {strides = array<i32>} : memref<256xi32, #tpu.memory_space<vmem>>, vector<16xi32>,
    %get3A_397 = vector.shape_cast %get3A_396 : vector<16xi32> to vector<16xi32>
    %iota3A_398 = tpu.iota {dimensions = array<i32: 0>} : vector<16xi32>
    %add3A_399 = arith.constant 192 : i32
    %add3A_400 = vector.broadcast %add3A_399 : i32 to vector<16xi32>
    %add3A_401 = arith.addi %iota3A_398, %add3A_400 : vector<16xi32>
    %mul3A_402 = arith.constant 64 : i32
    %mul3A_403 = vector.broadcast %mul3A_402 : i32 to vector<16xi32>
    %mul3A_404 = arith.muli %add3A_401, %mul3A_403 : vector<16xi32>
    %add3A_405 = vector.broadcast %mul3A_57 : i32 to vector<16xi32>
    %add3A_406 = arith.addi %add3A_405, %mul3A_404 : vector<16xi32>
    %add3A_407 = arith.addi %add3A_406, %get3A_394 : vector<16xi32>
    %swap3A_408 = arith.constant 192 : index
    %swap3A_409 = tpu.vector_load %arg14[%swap3A_408] {strides = array<i32>} : memref<256xi32, #tpu.memory_space<vmem>>, vector<16xi32>,
    %swap3A_410 = vector.shape_cast %swap3A_409 : vector<16xi32> to vector<16xi32>
    %swap3A_411 = vector.shape_cast %add3A_407 : vector<16xi32> to vector<16xi32>
    tpu.vector_store %arg14[%swap3A_408], %swap3A_411 {strides = array<i32>} : memref<256xi32, #tpu.memory_space<vmem>>, vector<16xi32>,
    %mul3A_412 = arith.constant 64 : i32
    %mul3A_413 = vector.broadcast %mul3A_412 : i32 to vector<16xi32>
    %mul3A_414 = arith.muli %get3A_394, %mul3A_413 : vector<16xi32>
    %add3A_415 = arith.addi %mul3A_414, %get3A_397 : vector<16xi32>
    %swap3A_416 = arith.constant 192 : index
    %swap3A_417 = tpu.vector_load %arg15[%swap3A_416] {strides = array<i32>} : memref<256xi32, #tpu.memory_space<vmem>>, vector<16xi32>,
    %swap3A_418 = vector.shape_cast %swap3A_417 : vector<16xi32> to vector<16xi32>
    %swap3A_419 = vector.shape_cast %add3A_415 : vector<16xi32> to vector<16xi32>
    tpu.vector_store %arg15[%swap3A_416], %swap3A_419 {strides = array<i32>} : memref<256xi32, #tpu.memory_space<vmem>>, vector<16xi32>,
    %get3A_420 = arith.constant 208 : index
    %get3A_421 = tpu.vector_load %arg11[%get3A_420] {strides = array<i32>} : memref<256xi32, #tpu.memory_space<vmem>>, vector<16xi32>,
    %get3A_422 = vector.shape_cast %get3A_421 : vector<16xi32> to vector<16xi32>
    %get3A_423 = arith.constant 208 : index
    %get3A_424 = tpu.vector_load %arg12[%get3A_423] {strides = array<i32>} : memref<256xi32, #tpu.memory_space<vmem>>, vector<16xi32>,
    %get3A_425 = vector.shape_cast %get3A_424 : vector<16xi32> to vector<16xi32>
    %iota3A_426 = tpu.iota {dimensions = array<i32: 0>} : vector<16xi32>
    %add3A_427 = arith.constant 208 : i32
    %add3A_428 = vector.broadcast %add3A_427 : i32 to vector<16xi32>
    %add3A_429 = arith.addi %iota3A_426, %add3A_428 : vector<16xi32>
    %mul3A_430 = arith.constant 64 : i32
    %mul3A_431 = vector.broadcast %mul3A_430 : i32 to vector<16xi32>
    %mul3A_432 = arith.muli %add3A_429, %mul3A_431 : vector<16xi32>
    %add3A_433 = vector.broadcast %mul3A_57 : i32 to vector<16xi32>
    %add3A_434 = arith.addi %add3A_433, %mul3A_432 : vector<16xi32>
    %add3A_435 = arith.addi %add3A_434, %get3A_422 : vector<16xi32>
    %swap3A_436 = arith.constant 208 : index
    %swap3A_437 = tpu.vector_load %arg14[%swap3A_436] {strides = array<i32>} : memref<256xi32, #tpu.memory_space<vmem>>, vector<16xi32>,
    %swap3A_438 = vector.shape_cast %swap3A_437 : vector<16xi32> to vector<16xi32>
    %swap3A_439 = vector.shape_cast %add3A_435 : vector<16xi32> to vector<16xi32>
    tpu.vector_store %arg14[%swap3A_436], %swap3A_439 {strides = array<i32>} : memref<256xi32, #tpu.memory_space<vmem>>, vector<16xi32>,
    %mul3A_440 = arith.constant 64 : i32
    %mul3A_441 = vector.broadcast %mul3A_440 : i32 to vector<16xi32>
    %mul3A_442 = arith.muli %get3A_422, %mul3A_441 : vector<16xi32>
    %add3A_443 = arith.addi %mul3A_442, %get3A_425 : vector<16xi32>
    %swap3A_444 = arith.constant 208 : index
    %swap3A_445 = tpu.vector_load %arg15[%swap3A_444] {strides = array<i32>} : memref<256xi32, #tpu.memory_space<vmem>>, vector<16xi32>,
    %swap3A_446 = vector.shape_cast %swap3A_445 : vector<16xi32> to vector<16xi32>
    %swap3A_447 = vector.shape_cast %add3A_443 : vector<16xi32> to vector<16xi32>
    tpu.vector_store %arg15[%swap3A_444], %swap3A_447 {strides = array<i32>} : memref<256xi32, #tpu.memory_space<vmem>>, vector<16xi32>,
    %get3A_448 = arith.constant 224 : index
    %get3A_449 = tpu.vector_load %arg11[%get3A_448] {strides = array<i32>} : memref<256xi32, #tpu.memory_space<vmem>>, vector<16xi32>,
    %get3A_450 = vector.shape_cast %get3A_449 : vector<16xi32> to vector<16xi32>
    %get3A_451 = arith.constant 224 : index
    %get3A_452 = tpu.vector_load %arg12[%get3A_451] {strides = array<i32>} : memref<256xi32, #tpu.memory_space<vmem>>, vector<16xi32>,
    %get3A_453 = vector.shape_cast %get3A_452 : vector<16xi32> to vector<16xi32>
    %iota3A_454 = tpu.iota {dimensions = array<i32: 0>} : vector<16xi32>
    %add3A_455 = arith.constant 224 : i32
    %add3A_456 = vector.broadcast %add3A_455 : i32 to vector<16xi32>
    %add3A_457 = arith.addi %iota3A_454, %add3A_456 : vector<16xi32>
    %mul3A_458 = arith.constant 64 : i32
    %mul3A_459 = vector.broadcast %mul3A_458 : i32 to vector<16xi32>
    %mul3A_460 = arith.muli %add3A_457, %mul3A_459 : vector<16xi32>
    %add3A_461 = vector.broadcast %mul3A_57 : i32 to vector<16xi32>
    %add3A_462 = arith.addi %add3A_461, %mul3A_460 : vector<16xi32>
    %add3A_463 = arith.addi %add3A_462, %get3A_450 : vector<16xi32>
    %swap3A_464 = arith.constant 224 : index
    %swap3A_465 = tpu.vector_load %arg14[%swap3A_464] {strides = array<i32>} : memref<256xi32, #tpu.memory_space<vmem>>, vector<16xi32>,
    %swap3A_466 = vector.shape_cast %swap3A_465 : vector<16xi32> to vector<16xi32>
    %swap3A_467 = vector.shape_cast %add3A_463 : vector<16xi32> to vector<16xi32>
    tpu.vector_store %arg14[%swap3A_464], %swap3A_467 {strides = array<i32>} : memref<256xi32, #tpu.memory_space<vmem>>, vector<16xi32>,
    %mul3A_468 = arith.constant 64 : i32
    %mul3A_469 = vector.broadcast %mul3A_468 : i32 to vector<16xi32>
    %mul3A_470 = arith.muli %get3A_450, %mul3A_469 : vector<16xi32>
    %add3A_471 = arith.addi %mul3A_470, %get3A_453 : vector<16xi32>
    %swap3A_472 = arith.constant 224 : index
    %swap3A_473 = tpu.vector_load %arg15[%swap3A_472] {strides = array<i32>} : memref<256xi32, #tpu.memory_space<vmem>>, vector<16xi32>,
    %swap3A_474 = vector.shape_cast %swap3A_473 : vector<16xi32> to vector<16xi32>
    %swap3A_475 = vector.shape_cast %add3A_471 : vector<16xi32> to vector<16xi32>
    tpu.vector_store %arg15[%swap3A_472], %swap3A_475 {strides = array<i32>} : memref<256xi32, #tpu.memory_space<vmem>>, vector<16xi32>,
    %get3A_476 = arith.constant 240 : index
    %get3A_477 = tpu.vector_load %arg11[%get3A_476] {strides = array<i32>} : memref<256xi32, #tpu.memory_space<vmem>>, vector<16xi32>,
    %get3A_478 = vector.shape_cast %get3A_477 : vector<16xi32> to vector<16xi32>
    %get3A_479 = arith.constant 240 : index
    %get3A_480 = tpu.vector_load %arg12[%get3A_479] {strides = array<i32>} : memref<256xi32, #tpu.memory_space<vmem>>, vector<16xi32>,
    %get3A_481 = vector.shape_cast %get3A_480 : vector<16xi32> to vector<16xi32>
    %iota3A_482 = tpu.iota {dimensions = array<i32: 0>} : vector<16xi32>
    %add3A_483 = arith.constant 240 : i32
    %add3A_484 = vector.broadcast %add3A_483 : i32 to vector<16xi32>
    %add3A_485 = arith.addi %iota3A_482, %add3A_484 : vector<16xi32>
    %mul3A_486 = arith.constant 64 : i32
    %mul3A_487 = vector.broadcast %mul3A_486 : i32 to vector<16xi32>
    %mul3A_488 = arith.muli %add3A_485, %mul3A_487 : vector<16xi32>
    %add3A_489 = vector.broadcast %mul3A_57 : i32 to vector<16xi32>
    %add3A_490 = arith.addi %add3A_489, %mul3A_488 : vector<16xi32>
    %add3A_491 = arith.addi %add3A_490, %get3A_478 : vector<16xi32>
    %swap3A_492 = arith.constant 240 : index
    %swap3A_493 = tpu.vector_load %arg14[%swap3A_492] {strides = array<i32>} : memref<256xi32, #tpu.memory_space<vmem>>, vector<16xi32>,
    %swap3A_494 = vector.shape_cast %swap3A_493 : vector<16xi32> to vector<16xi32>
    %swap3A_495 = vector.shape_cast %add3A_491 : vector<16xi32> to vector<16xi32>
    tpu.vector_store %arg14[%swap3A_492], %swap3A_495 {strides = array<i32>} : memref<256xi32, #tpu.memory_space<vmem>>, vector<16xi32>,
    %mul3A_496 = arith.constant 64 : i32
    %mul3A_497 = vector.broadcast %mul3A_496 : i32 to vector<16xi32>
    %mul3A_498 = arith.muli %get3A_478, %mul3A_497 : vector<16xi32>
    %add3A_499 = arith.addi %mul3A_498, %get3A_481 : vector<16xi32>
    %swap3A_500 = arith.constant 240 : index
    %swap3A_501 = tpu.vector_load %arg15[%swap3A_500] {strides = array<i32>} : memref<256xi32, #tpu.memory_space<vmem>>, vector<16xi32>,
    %swap3A_502 = vector.shape_cast %swap3A_501 : vector<16xi32> to vector<16xi32>
    %swap3A_503 = vector.shape_cast %add3A_499 : vector<16xi32> to vector<16xi32>
    tpu.vector_store %arg15[%swap3A_500], %swap3A_503 {strides = array<i32>} : memref<256xi32, #tpu.memory_space<vmem>>, vector<16xi32>,
    %dma_start3A_504 = arith.constant 0 : i32
    %dma_start3A_505 = tpu.memref_slice %arg2[%dma_start3A_504] : memref<524288xf32, #tpu.memory_space<hbm>> -> memref<524288xf32, #tpu.memory_space<hbm>>
    tpu.enqueue_indirect_dma source(%dma_start3A_505 : memref<524288xf32, #tpu.memory_space<hbm>>) target(%arg16 : memref<256xf32, #tpu.memory_space<vmem>>) offsets(%arg14 : memref<256xi32, #tpu.memory_space<vmem>>) semaphore(%arg23 : memref<!tpu.dma_semaphore, #tpu.memory_space<semaphore_mem>>)
    %dma_start3A_506 = arith.constant 0 : i32
    %dma_start3A_507 = tpu.memref_slice %arg7[%dma_start3A_506] : memref<4096xf32, #tpu.memory_space<hbm>> -> memref<4096xf32, #tpu.memory_space<hbm>>
    tpu.enqueue_indirect_dma source(%dma_start3A_507 : memref<4096xf32, #tpu.memory_space<hbm>>) target(%arg17 : memref<256xf32, #tpu.memory_space<vmem>>) offsets(%arg15 : memref<256xi32, #tpu.memory_space<vmem>>) semaphore(%arg23 : memref<!tpu.dma_semaphore, #tpu.memory_space<semaphore_mem>>)
    %eq3A_508 = arith.constant 0 : i32
    %eq3A_509 = arith.cmpi eq, %add3A, %eq3A_508 : i32
    %convert_element_type3A = arith.extui %eq3A_509 : i1 to i32
    %cond3A = arith.constant 0 : i32
    %cond3A_510 = arith.cmpi ne, %convert_element_type3A, %cond3A : i32
    scf.if %cond3A_510 {
      %iota3A_989 = tpu.iota {dimensions = array<i32: 0>} : vector<16xi32>
      %mul3A_990 = arith.constant 512 : i32
      %mul3A_991 = vector.broadcast %mul3A_990 : i32 to vector<16xi32>
      %mul3A_992 = arith.muli %iota3A_989, %mul3A_991 : vector<16xi32>
      %swap3A_993 = arith.constant 0 : index
      %swap3A_994 = tpu.vector_load %arg19[%swap3A_993] {strides = array<i32>} : memref<16xi32, #tpu.memory_space<vmem>>, vector<16xi32>,
      %swap3A_995 = vector.shape_cast %swap3A_994 : vector<16xi32> to vector<16xi32>
      %swap3A_996 = vector.shape_cast %mul3A_992 : vector<16xi32> to vector<16xi32>
      tpu.vector_store %arg19[%swap3A_993], %swap3A_996 {strides = array<i32>} : memref<16xi32, #tpu.memory_space<vmem>>, vector<16xi32>,
      "tpu.region"() ({
        %run_scoped3A_997 = tpu.sem_alloc : memref<!tpu.dma_semaphore, #tpu.memory_space<semaphore_mem>>
        %dma_start3A_998 = arith.constant 0 : i32
        %dma_start3A_999 = tpu.memref_slice %arg3[%dma_start3A_998] : memref<8192xi32, #tpu.memory_space<hbm>> -> memref<8192xi32, #tpu.memory_space<hbm>>
        tpu.enqueue_indirect_dma source(%dma_start3A_999 : memref<8192xi32, #tpu.memory_space<hbm>>) target(%arg20 : memref<16xi32, #tpu.memory_space<vmem>>) offsets(%arg19 : memref<16xi32, #tpu.memory_space<vmem>>) semaphore(%run_scoped3A_997 : memref<!tpu.dma_semaphore, #tpu.memory_space<semaphore_mem>>)
        %dma_wait3A_1000 = arith.constant 0 : i32
        %dma_wait3A_1001 = tpu.memref_slice %arg3[%dma_wait3A_1000] : memref<8192xi32, #tpu.memory_space<hbm>> -> memref<8192xi32, #tpu.memory_space<hbm>>
        tpu.wait_indirect_dma semaphore(%run_scoped3A_997 : memref<!tpu.dma_semaphore, #tpu.memory_space<semaphore_mem>>) src(%dma_wait3A_1001 : memref<8192xi32, #tpu.memory_space<hbm>>) dst(%arg20 : memref<16xi32, #tpu.memory_space<vmem>>)
        tpu.yield
      }) : () -> ()
      "tpu.region"() ({
        %run_scoped3A_997 = tpu.sem_alloc : memref<!tpu.dma_semaphore, #tpu.memory_space<semaphore_mem>>
        %dma_start3A_998 = arith.constant 0 : i32
        %dma_start3A_999 = tpu.memref_slice %arg8[%dma_start3A_998] : memref<64xf32, #tpu.memory_space<hbm>> -> memref<64xf32, #tpu.memory_space<hbm>>
        tpu.enqueue_indirect_dma source(%dma_start3A_999 : memref<64xf32, #tpu.memory_space<hbm>>) target(%arg21 : memref<16xf32, #tpu.memory_space<vmem>>) offsets(%arg20 : memref<16xi32, #tpu.memory_space<vmem>>) semaphore(%run_scoped3A_997 : memref<!tpu.dma_semaphore, #tpu.memory_space<semaphore_mem>>)
        %dma_wait3A_1000 = arith.constant 0 : i32
        %dma_wait3A_1001 = tpu.memref_slice %arg8[%dma_wait3A_1000] : memref<64xf32, #tpu.memory_space<hbm>> -> memref<64xf32, #tpu.memory_space<hbm>>
        tpu.wait_indirect_dma semaphore(%run_scoped3A_997 : memref<!tpu.dma_semaphore, #tpu.memory_space<semaphore_mem>>) src(%dma_wait3A_1001 : memref<64xf32, #tpu.memory_space<hbm>>) dst(%arg21 : memref<16xf32, #tpu.memory_space<vmem>>)
        tpu.yield
      }) : () -> ()
      %run_scoped3A = arith.constant 32 : i32
      "tpu.region"() ({
        %run_scoped3A_997 = tpu.sem_alloc : memref<!tpu.dma_semaphore, #tpu.memory_space<semaphore_mem>>
        %dma_start3A_998 = arith.constant 0 : i32
        %dma_start3A_999 = tpu.memref_slice %arg10[%run_scoped3A, %dma_start3A_998] : memref<34x16xf32, #tpu.memory_space<hbm>> -> memref<1x16xf32, #tpu.memory_space<hbm>>
        %dma_start3A_1000 = tpu.memref_squeeze %dma_start3A_999 : memref<1x16xf32, #tpu.memory_space<hbm>> -> memref<16xf32, #tpu.memory_space<hbm>>
        %dma_start3A_1001 = arith.constant 0 : i32
        %dma_start3A_1002 = tpu.memref_slice %arg10[%run_scoped3A, %dma_start3A_1001] : memref<34x16xf32, #tpu.memory_space<hbm>> -> memref<1x16xf32, #tpu.memory_space<hbm>>
        %dma_start3A_1003 = tpu.memref_squeeze %dma_start3A_1002 : memref<1x16xf32, #tpu.memory_space<hbm>> -> memref<16xf32, #tpu.memory_space<hbm>>
        tpu.enqueue_dma source(%arg21 : memref<16xf32, #tpu.memory_space<vmem>>) target(%dma_start3A_1003 : memref<16xf32, #tpu.memory_space<hbm>>) target_semaphore(%run_scoped3A_997 : memref<!tpu.dma_semaphore, #tpu.memory_space<semaphore_mem>>)
        %dma_wait3A_1004 = arith.constant 0 : i32
        %dma_wait3A_1005 = tpu.memref_slice %arg10[%run_scoped3A, %dma_wait3A_1004] : memref<34x16xf32, #tpu.memory_space<hbm>> -> memref<1x16xf32, #tpu.memory_space<hbm>>
        %dma_wait3A_1006 = tpu.memref_squeeze %dma_wait3A_1005 : memref<1x16xf32, #tpu.memory_space<hbm>> -> memref<16xf32, #tpu.memory_space<hbm>>
        %dma_wait3A_1007 = arith.constant 0 : i32
        %dma_wait3A_1008 = tpu.memref_slice %arg10[%run_scoped3A, %dma_wait3A_1007] : memref<34x16xf32, #tpu.memory_space<hbm>> -> memref<1x16xf32, #tpu.memory_space<hbm>>
        %dma_wait3A_1009 = tpu.memref_squeeze %dma_wait3A_1008 : memref<1x16xf32, #tpu.memory_space<hbm>> -> memref<16xf32, #tpu.memory_space<hbm>>
        tpu.wait_dma2 semaphore(%run_scoped3A_997 : memref<!tpu.dma_semaphore, #tpu.memory_space<semaphore_mem>>) src(%arg21 : memref<16xf32, #tpu.memory_space<vmem>>) dst(%dma_wait3A_1009 : memref<16xf32, #tpu.memory_space<hbm>>)
        tpu.yield
      }) : () -> ()
    } else {
    }
    %eq3A_511 = arith.constant 2 : i32
    %eq3A_512 = arith.cmpi eq, %add3A, %eq3A_511 : i32
    %convert_element_type3A_513 = arith.extui %eq3A_512 : i1 to i32
    %cond3A_514 = arith.constant 0 : i32
    %cond3A_515 = arith.cmpi ne, %convert_element_type3A_513, %cond3A_514 : i32
    scf.if %cond3A_515 {
      "tpu.region"() ({
        %run_scoped3A_1004 = tpu.sem_alloc : memref<!tpu.dma_semaphore, #tpu.memory_space<semaphore_mem>>
        tpu.enqueue_dma source(%arg6 : memref<16xi32, #tpu.memory_space<hbm>>) target(%arg22 : memref<16xi32, #tpu.memory_space<vmem>>) target_semaphore(%run_scoped3A_1004 : memref<!tpu.dma_semaphore, #tpu.memory_space<semaphore_mem>>)
        tpu.wait_dma2 semaphore(%run_scoped3A_1004 : memref<!tpu.dma_semaphore, #tpu.memory_space<semaphore_mem>>) src(%arg6 : memref<16xi32, #tpu.memory_space<hbm>>) dst(%arg22 : memref<16xi32, #tpu.memory_space<vmem>>)
        tpu.yield
      }) : () -> ()
      %iota3A_989 = tpu.iota {dimensions = array<i32: 0>} : vector<16xi32>
      %mul3A_990 = arith.constant 512 : i32
      %mul3A_991 = vector.broadcast %mul3A_990 : i32 to vector<16xi32>
      %mul3A_992 = arith.muli %iota3A_989, %mul3A_991 : vector<16xi32>
      %get3A_993 = arith.constant 0 : index
      %get3A_994 = tpu.vector_load %arg22[%get3A_993] {strides = array<i32>} : memref<16xi32, #tpu.memory_space<vmem>>, vector<16xi32>,
      %get3A_995 = vector.shape_cast %get3A_994 : vector<16xi32> to vector<16xi32>
      %add3A_996 = arith.addi %mul3A_992, %get3A_995 : vector<16xi32>
      %sub3A_997 = arith.constant 1 : i32
      %sub3A_998 = vector.broadcast %sub3A_997 : i32 to vector<16xi32>
      %sub3A_999 = arith.subi %add3A_996, %sub3A_998 : vector<16xi32>
      %swap3A_1000 = arith.constant 0 : index
      %swap3A_1001 = tpu.vector_load %arg19[%swap3A_1000] {strides = array<i32>} : memref<16xi32, #tpu.memory_space<vmem>>, vector<16xi32>,
      %swap3A_1002 = vector.shape_cast %swap3A_1001 : vector<16xi32> to vector<16xi32>
      %swap3A_1003 = vector.shape_cast %sub3A_999 : vector<16xi32> to vector<16xi32>
      tpu.vector_store %arg19[%swap3A_1000], %swap3A_1003 {strides = array<i32>} : memref<16xi32, #tpu.memory_space<vmem>>, vector<16xi32>,
      "tpu.region"() ({
        %run_scoped3A_1004 = tpu.sem_alloc : memref<!tpu.dma_semaphore, #tpu.memory_space<semaphore_mem>>
        %dma_start3A_1005 = arith.constant 0 : i32
        %dma_start3A_1006 = tpu.memref_slice %arg3[%dma_start3A_1005] : memref<8192xi32, #tpu.memory_space<hbm>> -> memref<8192xi32, #tpu.memory_space<hbm>>
        tpu.enqueue_indirect_dma source(%dma_start3A_1006 : memref<8192xi32, #tpu.memory_space<hbm>>) target(%arg20 : memref<16xi32, #tpu.memory_space<vmem>>) offsets(%arg19 : memref<16xi32, #tpu.memory_space<vmem>>) semaphore(%run_scoped3A_1004 : memref<!tpu.dma_semaphore, #tpu.memory_space<semaphore_mem>>)
        %dma_wait3A_1007 = arith.constant 0 : i32
        %dma_wait3A_1008 = tpu.memref_slice %arg3[%dma_wait3A_1007] : memref<8192xi32, #tpu.memory_space<hbm>> -> memref<8192xi32, #tpu.memory_space<hbm>>
        tpu.wait_indirect_dma semaphore(%run_scoped3A_1004 : memref<!tpu.dma_semaphore, #tpu.memory_space<semaphore_mem>>) src(%dma_wait3A_1008 : memref<8192xi32, #tpu.memory_space<hbm>>) dst(%arg20 : memref<16xi32, #tpu.memory_space<vmem>>)
        tpu.yield
      }) : () -> ()
      "tpu.region"() ({
        %run_scoped3A_1004 = tpu.sem_alloc : memref<!tpu.dma_semaphore, #tpu.memory_space<semaphore_mem>>
        %dma_start3A_1005 = arith.constant 0 : i32
        %dma_start3A_1006 = tpu.memref_slice %arg9[%dma_start3A_1005] : memref<64xf32, #tpu.memory_space<hbm>> -> memref<64xf32, #tpu.memory_space<hbm>>
        tpu.enqueue_indirect_dma source(%dma_start3A_1006 : memref<64xf32, #tpu.memory_space<hbm>>) target(%arg21 : memref<16xf32, #tpu.memory_space<vmem>>) offsets(%arg20 : memref<16xi32, #tpu.memory_space<vmem>>) semaphore(%run_scoped3A_1004 : memref<!tpu.dma_semaphore, #tpu.memory_space<semaphore_mem>>)
        %dma_wait3A_1007 = arith.constant 0 : i32
        %dma_wait3A_1008 = tpu.memref_slice %arg9[%dma_wait3A_1007] : memref<64xf32, #tpu.memory_space<hbm>> -> memref<64xf32, #tpu.memory_space<hbm>>
        tpu.wait_indirect_dma semaphore(%run_scoped3A_1004 : memref<!tpu.dma_semaphore, #tpu.memory_space<semaphore_mem>>) src(%dma_wait3A_1008 : memref<64xf32, #tpu.memory_space<hbm>>) dst(%arg21 : memref<16xf32, #tpu.memory_space<vmem>>)
        tpu.yield
      }) : () -> ()
      %run_scoped3A = arith.constant 33 : i32
      "tpu.region"() ({
        %run_scoped3A_1004 = tpu.sem_alloc : memref<!tpu.dma_semaphore, #tpu.memory_space<semaphore_mem>>
        %dma_start3A_1005 = arith.constant 0 : i32
        %dma_start3A_1006 = tpu.memref_slice %arg10[%run_scoped3A, %dma_start3A_1005] : memref<34x16xf32, #tpu.memory_space<hbm>> -> memref<1x16xf32, #tpu.memory_space<hbm>>
        %dma_start3A_1007 = tpu.memref_squeeze %dma_start3A_1006 : memref<1x16xf32, #tpu.memory_space<hbm>> -> memref<16xf32, #tpu.memory_space<hbm>>
        %dma_start3A_1008 = arith.constant 0 : i32
        %dma_start3A_1009 = tpu.memref_slice %arg10[%run_scoped3A, %dma_start3A_1008] : memref<34x16xf32, #tpu.memory_space<hbm>> -> memref<1x16xf32, #tpu.memory_space<hbm>>
        %dma_start3A_1010 = tpu.memref_squeeze %dma_start3A_1009 : memref<1x16xf32, #tpu.memory_space<hbm>> -> memref<16xf32, #tpu.memory_space<hbm>>
        tpu.enqueue_dma source(%arg21 : memref<16xf32, #tpu.memory_space<vmem>>) target(%dma_start3A_1010 : memref<16xf32, #tpu.memory_space<hbm>>) target_semaphore(%run_scoped3A_1004 : memref<!tpu.dma_semaphore, #tpu.memory_space<semaphore_mem>>)
        %dma_wait3A_1011 = arith.constant 0 : i32
        %dma_wait3A_1012 = tpu.memref_slice %arg10[%run_scoped3A, %dma_wait3A_1011] : memref<34x16xf32, #tpu.memory_space<hbm>> -> memref<1x16xf32, #tpu.memory_space<hbm>>
        %dma_wait3A_1013 = tpu.memref_squeeze %dma_wait3A_1012 : memref<1x16xf32, #tpu.memory_space<hbm>> -> memref<16xf32, #tpu.memory_space<hbm>>
        %dma_wait3A_1014 = arith.constant 0 : i32
        %dma_wait3A_1015 = tpu.memref_slice %arg10[%run_scoped3A, %dma_wait3A_1014] : memref<34x16xf32, #tpu.memory_space<hbm>> -> memref<1x16xf32, #tpu.memory_space<hbm>>
        %dma_wait3A_1016 = tpu.memref_squeeze %dma_wait3A_1015 : memref<1x16xf32, #tpu.memory_space<hbm>> -> memref<16xf32, #tpu.memory_space<hbm>>
        tpu.wait_dma2 semaphore(%run_scoped3A_1004 : memref<!tpu.dma_semaphore, #tpu.memory_space<semaphore_mem>>) src(%arg21 : memref<16xf32, #tpu.memory_space<vmem>>) dst(%dma_wait3A_1016 : memref<16xf32, #tpu.memory_space<hbm>>)
        tpu.yield
      }) : () -> ()
    } else {
    }
    %dma_wait3A_516 = arith.constant 0 : i32
    %dma_wait3A_517 = tpu.memref_slice %arg2[%dma_wait3A_516] : memref<524288xf32, #tpu.memory_space<hbm>> -> memref<524288xf32, #tpu.memory_space<hbm>>
    tpu.wait_indirect_dma semaphore(%arg23 : memref<!tpu.dma_semaphore, #tpu.memory_space<semaphore_mem>>) src(%dma_wait3A_517 : memref<524288xf32, #tpu.memory_space<hbm>>) dst(%arg16 : memref<256xf32, #tpu.memory_space<vmem>>)
    %dma_wait3A_518 = arith.constant 0 : i32
    %dma_wait3A_519 = tpu.memref_slice %arg7[%dma_wait3A_518] : memref<4096xf32, #tpu.memory_space<hbm>> -> memref<4096xf32, #tpu.memory_space<hbm>>
    tpu.wait_indirect_dma semaphore(%arg23 : memref<!tpu.dma_semaphore, #tpu.memory_space<semaphore_mem>>) src(%dma_wait3A_519 : memref<4096xf32, #tpu.memory_space<hbm>>) dst(%arg17 : memref<256xf32, #tpu.memory_space<vmem>>)
    %broadcast_in_dim3A = arith.constant 0.000000e+00 : f32
    %broadcast_in_dim3A_520 = vector.broadcast %broadcast_in_dim3A : f32 to vector<16xf32>
    %iota3A_521 = tpu.iota {dimensions = array<i32: 0>} : vector<16xi32>
    %add3A_522 = arith.constant 0 : i32
    %add3A_523 = vector.broadcast %add3A_522 : i32 to vector<16xi32>
    %add3A_524 = arith.addi %iota3A_521, %add3A_523 : vector<16xi32>
    %add3A_525 = vector.broadcast %mul3A_32 : i32 to vector<16xi32>
    %add3A_526 = arith.addi %add3A_524, %add3A_525 : vector<16xi32>
    %get3A_527 = arith.constant 0 : index
    %get3A_528 = tpu.vector_load %arg16[%get3A_527] {strides = array<i32>} : memref<256xf32, #tpu.memory_space<vmem>>, vector<16xf32>,
    %get3A_529 = vector.shape_cast %get3A_528 : vector<16xf32> to vector<16xf32>
    %get3A_530 = arith.constant 0 : index
    %get3A_531 = tpu.vector_load %arg17[%get3A_530] {strides = array<i32>} : memref<256xf32, #tpu.memory_space<vmem>>, vector<16xf32>,
    %get3A_532 = vector.shape_cast %get3A_531 : vector<16xf32> to vector<16xf32>
    %lt3A_533 = arith.cmpi slt, %add3A_526, %get3A_52 : vector<16xi32>
    %jit3A_534 = arith.constant 0.000000e+00 : f32
    %broadcast_in_dim3A_535 = vector.broadcast %jit3A_534 : f32 to vector<16xf32>
    %select_n3A_536 = arith.select %lt3A_533, %get3A_529, %broadcast_in_dim3A_535 : vector<16xi1>, vector<16xf32>
    %add3A_537 = arith.addf %broadcast_in_dim3A_520, %select_n3A_536 : vector<16xf32>
    %add3A_538 = arith.constant 1 : i32
    %add3A_539 = vector.broadcast %add3A_538 : i32 to vector<16xi32>
    %add3A_540 = arith.addi %add3A_526, %add3A_539 : vector<16xi32>
    %lt3A_541 = arith.cmpi slt, %add3A_540, %get3A_52 : vector<16xi32>
    %lt3A_542 = arith.constant 511 : i32
    %lt3A_543 = vector.broadcast %lt3A_542 : i32 to vector<16xi32>
    %lt3A_544 = arith.cmpi slt, %add3A_526, %lt3A_543 : vector<16xi32>
    %and3A_545 = arith.andi %lt3A_541, %lt3A_544 : vector<16xi1>
    %jit3A_546 = arith.constant 0.000000e+00 : f32
    %broadcast_in_dim3A_547 = vector.broadcast %jit3A_546 : f32 to vector<16xf32>
    %select_n3A_548 = arith.select %and3A_545, %get3A_532, %broadcast_in_dim3A_547 : vector<16xi1>, vector<16xf32>
    %add3A_549 = arith.addf %add3A_537, %select_n3A_548 : vector<16xf32>
    %iota3A_550 = tpu.iota {dimensions = array<i32: 0>} : vector<16xi32>
    %add3A_551 = arith.constant 16 : i32
    %add3A_552 = vector.broadcast %add3A_551 : i32 to vector<16xi32>
    %add3A_553 = arith.addi %iota3A_550, %add3A_552 : vector<16xi32>
    %add3A_554 = vector.broadcast %mul3A_32 : i32 to vector<16xi32>
    %add3A_555 = arith.addi %add3A_553, %add3A_554 : vector<16xi32>
    %get3A_556 = arith.constant 16 : index
    %get3A_557 = tpu.vector_load %arg16[%get3A_556] {strides = array<i32>} : memref<256xf32, #tpu.memory_space<vmem>>, vector<16xf32>,
    %get3A_558 = vector.shape_cast %get3A_557 : vector<16xf32> to vector<16xf32>
    %get3A_559 = arith.constant 16 : index
    %get3A_560 = tpu.vector_load %arg17[%get3A_559] {strides = array<i32>} : memref<256xf32, #tpu.memory_space<vmem>>, vector<16xf32>,
    %get3A_561 = vector.shape_cast %get3A_560 : vector<16xf32> to vector<16xf32>
    %lt3A_562 = arith.cmpi slt, %add3A_555, %get3A_52 : vector<16xi32>
    %jit3A_563 = arith.constant 0.000000e+00 : f32
    %broadcast_in_dim3A_564 = vector.broadcast %jit3A_563 : f32 to vector<16xf32>
    %select_n3A_565 = arith.select %lt3A_562, %get3A_558, %broadcast_in_dim3A_564 : vector<16xi1>, vector<16xf32>
    %add3A_566 = arith.addf %add3A_549, %select_n3A_565 : vector<16xf32>
    %add3A_567 = arith.constant 1 : i32
    %add3A_568 = vector.broadcast %add3A_567 : i32 to vector<16xi32>
    %add3A_569 = arith.addi %add3A_555, %add3A_568 : vector<16xi32>
    %lt3A_570 = arith.cmpi slt, %add3A_569, %get3A_52 : vector<16xi32>
    %lt3A_571 = arith.constant 511 : i32
    %lt3A_572 = vector.broadcast %lt3A_571 : i32 to vector<16xi32>
    %lt3A_573 = arith.cmpi slt, %add3A_555, %lt3A_572 : vector<16xi32>
    %and3A_574 = arith.andi %lt3A_570, %lt3A_573 : vector<16xi1>
    %jit3A_575 = arith.constant 0.000000e+00 : f32
    %broadcast_in_dim3A_576 = vector.broadcast %jit3A_575 : f32 to vector<16xf32>
    %select_n3A_577 = arith.select %and3A_574, %get3A_561, %broadcast_in_dim3A_576 : vector<16xi1>, vector<16xf32>
    %add3A_578 = arith.addf %add3A_566, %select_n3A_577 : vector<16xf32>
    %iota3A_579 = tpu.iota {dimensions = array<i32: 0>} : vector<16xi32>
    %add3A_580 = arith.constant 32 : i32
    %add3A_581 = vector.broadcast %add3A_580 : i32 to vector<16xi32>
    %add3A_582 = arith.addi %iota3A_579, %add3A_581 : vector<16xi32>
    %add3A_583 = vector.broadcast %mul3A_32 : i32 to vector<16xi32>
    %add3A_584 = arith.addi %add3A_582, %add3A_583 : vector<16xi32>
    %get3A_585 = arith.constant 32 : index
    %get3A_586 = tpu.vector_load %arg16[%get3A_585] {strides = array<i32>} : memref<256xf32, #tpu.memory_space<vmem>>, vector<16xf32>,
    %get3A_587 = vector.shape_cast %get3A_586 : vector<16xf32> to vector<16xf32>
    %get3A_588 = arith.constant 32 : index
    %get3A_589 = tpu.vector_load %arg17[%get3A_588] {strides = array<i32>} : memref<256xf32, #tpu.memory_space<vmem>>, vector<16xf32>,
    %get3A_590 = vector.shape_cast %get3A_589 : vector<16xf32> to vector<16xf32>
    %lt3A_591 = arith.cmpi slt, %add3A_584, %get3A_52 : vector<16xi32>
    %jit3A_592 = arith.constant 0.000000e+00 : f32
    %broadcast_in_dim3A_593 = vector.broadcast %jit3A_592 : f32 to vector<16xf32>
    %select_n3A_594 = arith.select %lt3A_591, %get3A_587, %broadcast_in_dim3A_593 : vector<16xi1>, vector<16xf32>
    %add3A_595 = arith.addf %add3A_578, %select_n3A_594 : vector<16xf32>
    %add3A_596 = arith.constant 1 : i32
    %add3A_597 = vector.broadcast %add3A_596 : i32 to vector<16xi32>
    %add3A_598 = arith.addi %add3A_584, %add3A_597 : vector<16xi32>
    %lt3A_599 = arith.cmpi slt, %add3A_598, %get3A_52 : vector<16xi32>
    %lt3A_600 = arith.constant 511 : i32
    %lt3A_601 = vector.broadcast %lt3A_600 : i32 to vector<16xi32>
    %lt3A_602 = arith.cmpi slt, %add3A_584, %lt3A_601 : vector<16xi32>
    %and3A_603 = arith.andi %lt3A_599, %lt3A_602 : vector<16xi1>
    %jit3A_604 = arith.constant 0.000000e+00 : f32
    %broadcast_in_dim3A_605 = vector.broadcast %jit3A_604 : f32 to vector<16xf32>
    %select_n3A_606 = arith.select %and3A_603, %get3A_590, %broadcast_in_dim3A_605 : vector<16xi1>, vector<16xf32>
    %add3A_607 = arith.addf %add3A_595, %select_n3A_606 : vector<16xf32>
    %iota3A_608 = tpu.iota {dimensions = array<i32: 0>} : vector<16xi32>
    %add3A_609 = arith.constant 48 : i32
    %add3A_610 = vector.broadcast %add3A_609 : i32 to vector<16xi32>
    %add3A_611 = arith.addi %iota3A_608, %add3A_610 : vector<16xi32>
    %add3A_612 = vector.broadcast %mul3A_32 : i32 to vector<16xi32>
    %add3A_613 = arith.addi %add3A_611, %add3A_612 : vector<16xi32>
    %get3A_614 = arith.constant 48 : index
    %get3A_615 = tpu.vector_load %arg16[%get3A_614] {strides = array<i32>} : memref<256xf32, #tpu.memory_space<vmem>>, vector<16xf32>,
    %get3A_616 = vector.shape_cast %get3A_615 : vector<16xf32> to vector<16xf32>
    %get3A_617 = arith.constant 48 : index
    %get3A_618 = tpu.vector_load %arg17[%get3A_617] {strides = array<i32>} : memref<256xf32, #tpu.memory_space<vmem>>, vector<16xf32>,
    %get3A_619 = vector.shape_cast %get3A_618 : vector<16xf32> to vector<16xf32>
    %lt3A_620 = arith.cmpi slt, %add3A_613, %get3A_52 : vector<16xi32>
    %jit3A_621 = arith.constant 0.000000e+00 : f32
    %broadcast_in_dim3A_622 = vector.broadcast %jit3A_621 : f32 to vector<16xf32>
    %select_n3A_623 = arith.select %lt3A_620, %get3A_616, %broadcast_in_dim3A_622 : vector<16xi1>, vector<16xf32>
    %add3A_624 = arith.addf %add3A_607, %select_n3A_623 : vector<16xf32>
    %add3A_625 = arith.constant 1 : i32
    %add3A_626 = vector.broadcast %add3A_625 : i32 to vector<16xi32>
    %add3A_627 = arith.addi %add3A_613, %add3A_626 : vector<16xi32>
    %lt3A_628 = arith.cmpi slt, %add3A_627, %get3A_52 : vector<16xi32>
    %lt3A_629 = arith.constant 511 : i32
    %lt3A_630 = vector.broadcast %lt3A_629 : i32 to vector<16xi32>
    %lt3A_631 = arith.cmpi slt, %add3A_613, %lt3A_630 : vector<16xi32>
    %and3A_632 = arith.andi %lt3A_628, %lt3A_631 : vector<16xi1>
    %jit3A_633 = arith.constant 0.000000e+00 : f32
    %broadcast_in_dim3A_634 = vector.broadcast %jit3A_633 : f32 to vector<16xf32>
    %select_n3A_635 = arith.select %and3A_632, %get3A_619, %broadcast_in_dim3A_634 : vector<16xi1>, vector<16xf32>
    %add3A_636 = arith.addf %add3A_624, %select_n3A_635 : vector<16xf32>
    %iota3A_637 = tpu.iota {dimensions = array<i32: 0>} : vector<16xi32>
    %add3A_638 = arith.constant 64 : i32
    %add3A_639 = vector.broadcast %add3A_638 : i32 to vector<16xi32>
    %add3A_640 = arith.addi %iota3A_637, %add3A_639 : vector<16xi32>
    %add3A_641 = vector.broadcast %mul3A_32 : i32 to vector<16xi32>
    %add3A_642 = arith.addi %add3A_640, %add3A_641 : vector<16xi32>
    %get3A_643 = arith.constant 64 : index
    %get3A_644 = tpu.vector_load %arg16[%get3A_643] {strides = array<i32>} : memref<256xf32, #tpu.memory_space<vmem>>, vector<16xf32>,
    %get3A_645 = vector.shape_cast %get3A_644 : vector<16xf32> to vector<16xf32>
    %get3A_646 = arith.constant 64 : index
    %get3A_647 = tpu.vector_load %arg17[%get3A_646] {strides = array<i32>} : memref<256xf32, #tpu.memory_space<vmem>>, vector<16xf32>,
    %get3A_648 = vector.shape_cast %get3A_647 : vector<16xf32> to vector<16xf32>
    %lt3A_649 = arith.cmpi slt, %add3A_642, %get3A_52 : vector<16xi32>
    %jit3A_650 = arith.constant 0.000000e+00 : f32
    %broadcast_in_dim3A_651 = vector.broadcast %jit3A_650 : f32 to vector<16xf32>
    %select_n3A_652 = arith.select %lt3A_649, %get3A_645, %broadcast_in_dim3A_651 : vector<16xi1>, vector<16xf32>
    %add3A_653 = arith.addf %add3A_636, %select_n3A_652 : vector<16xf32>
    %add3A_654 = arith.constant 1 : i32
    %add3A_655 = vector.broadcast %add3A_654 : i32 to vector<16xi32>
    %add3A_656 = arith.addi %add3A_642, %add3A_655 : vector<16xi32>
    %lt3A_657 = arith.cmpi slt, %add3A_656, %get3A_52 : vector<16xi32>
    %lt3A_658 = arith.constant 511 : i32
    %lt3A_659 = vector.broadcast %lt3A_658 : i32 to vector<16xi32>
    %lt3A_660 = arith.cmpi slt, %add3A_642, %lt3A_659 : vector<16xi32>
    %and3A_661 = arith.andi %lt3A_657, %lt3A_660 : vector<16xi1>
    %jit3A_662 = arith.constant 0.000000e+00 : f32
    %broadcast_in_dim3A_663 = vector.broadcast %jit3A_662 : f32 to vector<16xf32>
    %select_n3A_664 = arith.select %and3A_661, %get3A_648, %broadcast_in_dim3A_663 : vector<16xi1>, vector<16xf32>
    %add3A_665 = arith.addf %add3A_653, %select_n3A_664 : vector<16xf32>
    %iota3A_666 = tpu.iota {dimensions = array<i32: 0>} : vector<16xi32>
    %add3A_667 = arith.constant 80 : i32
    %add3A_668 = vector.broadcast %add3A_667 : i32 to vector<16xi32>
    %add3A_669 = arith.addi %iota3A_666, %add3A_668 : vector<16xi32>
    %add3A_670 = vector.broadcast %mul3A_32 : i32 to vector<16xi32>
    %add3A_671 = arith.addi %add3A_669, %add3A_670 : vector<16xi32>
    %get3A_672 = arith.constant 80 : index
    %get3A_673 = tpu.vector_load %arg16[%get3A_672] {strides = array<i32>} : memref<256xf32, #tpu.memory_space<vmem>>, vector<16xf32>,
    %get3A_674 = vector.shape_cast %get3A_673 : vector<16xf32> to vector<16xf32>
    %get3A_675 = arith.constant 80 : index
    %get3A_676 = tpu.vector_load %arg17[%get3A_675] {strides = array<i32>} : memref<256xf32, #tpu.memory_space<vmem>>, vector<16xf32>,
    %get3A_677 = vector.shape_cast %get3A_676 : vector<16xf32> to vector<16xf32>
    %lt3A_678 = arith.cmpi slt, %add3A_671, %get3A_52 : vector<16xi32>
    %jit3A_679 = arith.constant 0.000000e+00 : f32
    %broadcast_in_dim3A_680 = vector.broadcast %jit3A_679 : f32 to vector<16xf32>
    %select_n3A_681 = arith.select %lt3A_678, %get3A_674, %broadcast_in_dim3A_680 : vector<16xi1>, vector<16xf32>
    %add3A_682 = arith.addf %add3A_665, %select_n3A_681 : vector<16xf32>
    %add3A_683 = arith.constant 1 : i32
    %add3A_684 = vector.broadcast %add3A_683 : i32 to vector<16xi32>
    %add3A_685 = arith.addi %add3A_671, %add3A_684 : vector<16xi32>
    %lt3A_686 = arith.cmpi slt, %add3A_685, %get3A_52 : vector<16xi32>
    %lt3A_687 = arith.constant 511 : i32
    %lt3A_688 = vector.broadcast %lt3A_687 : i32 to vector<16xi32>
    %lt3A_689 = arith.cmpi slt, %add3A_671, %lt3A_688 : vector<16xi32>
    %and3A_690 = arith.andi %lt3A_686, %lt3A_689 : vector<16xi1>
    %jit3A_691 = arith.constant 0.000000e+00 : f32
    %broadcast_in_dim3A_692 = vector.broadcast %jit3A_691 : f32 to vector<16xf32>
    %select_n3A_693 = arith.select %and3A_690, %get3A_677, %broadcast_in_dim3A_692 : vector<16xi1>, vector<16xf32>
    %add3A_694 = arith.addf %add3A_682, %select_n3A_693 : vector<16xf32>
    %iota3A_695 = tpu.iota {dimensions = array<i32: 0>} : vector<16xi32>
    %add3A_696 = arith.constant 96 : i32
    %add3A_697 = vector.broadcast %add3A_696 : i32 to vector<16xi32>
    %add3A_698 = arith.addi %iota3A_695, %add3A_697 : vector<16xi32>
    %add3A_699 = vector.broadcast %mul3A_32 : i32 to vector<16xi32>
    %add3A_700 = arith.addi %add3A_698, %add3A_699 : vector<16xi32>
    %get3A_701 = arith.constant 96 : index
    %get3A_702 = tpu.vector_load %arg16[%get3A_701] {strides = array<i32>} : memref<256xf32, #tpu.memory_space<vmem>>, vector<16xf32>,
    %get3A_703 = vector.shape_cast %get3A_702 : vector<16xf32> to vector<16xf32>
    %get3A_704 = arith.constant 96 : index
    %get3A_705 = tpu.vector_load %arg17[%get3A_704] {strides = array<i32>} : memref<256xf32, #tpu.memory_space<vmem>>, vector<16xf32>,
    %get3A_706 = vector.shape_cast %get3A_705 : vector<16xf32> to vector<16xf32>
    %lt3A_707 = arith.cmpi slt, %add3A_700, %get3A_52 : vector<16xi32>
    %jit3A_708 = arith.constant 0.000000e+00 : f32
    %broadcast_in_dim3A_709 = vector.broadcast %jit3A_708 : f32 to vector<16xf32>
    %select_n3A_710 = arith.select %lt3A_707, %get3A_703, %broadcast_in_dim3A_709 : vector<16xi1>, vector<16xf32>
    %add3A_711 = arith.addf %add3A_694, %select_n3A_710 : vector<16xf32>
    %add3A_712 = arith.constant 1 : i32
    %add3A_713 = vector.broadcast %add3A_712 : i32 to vector<16xi32>
    %add3A_714 = arith.addi %add3A_700, %add3A_713 : vector<16xi32>
    %lt3A_715 = arith.cmpi slt, %add3A_714, %get3A_52 : vector<16xi32>
    %lt3A_716 = arith.constant 511 : i32
    %lt3A_717 = vector.broadcast %lt3A_716 : i32 to vector<16xi32>
    %lt3A_718 = arith.cmpi slt, %add3A_700, %lt3A_717 : vector<16xi32>
    %and3A_719 = arith.andi %lt3A_715, %lt3A_718 : vector<16xi1>
    %jit3A_720 = arith.constant 0.000000e+00 : f32
    %broadcast_in_dim3A_721 = vector.broadcast %jit3A_720 : f32 to vector<16xf32>
    %select_n3A_722 = arith.select %and3A_719, %get3A_706, %broadcast_in_dim3A_721 : vector<16xi1>, vector<16xf32>
    %add3A_723 = arith.addf %add3A_711, %select_n3A_722 : vector<16xf32>
    %iota3A_724 = tpu.iota {dimensions = array<i32: 0>} : vector<16xi32>
    %add3A_725 = arith.constant 112 : i32
    %add3A_726 = vector.broadcast %add3A_725 : i32 to vector<16xi32>
    %add3A_727 = arith.addi %iota3A_724, %add3A_726 : vector<16xi32>
    %add3A_728 = vector.broadcast %mul3A_32 : i32 to vector<16xi32>
    %add3A_729 = arith.addi %add3A_727, %add3A_728 : vector<16xi32>
    %get3A_730 = arith.constant 112 : index
    %get3A_731 = tpu.vector_load %arg16[%get3A_730] {strides = array<i32>} : memref<256xf32, #tpu.memory_space<vmem>>, vector<16xf32>,
    %get3A_732 = vector.shape_cast %get3A_731 : vector<16xf32> to vector<16xf32>
    %get3A_733 = arith.constant 112 : index
    %get3A_734 = tpu.vector_load %arg17[%get3A_733] {strides = array<i32>} : memref<256xf32, #tpu.memory_space<vmem>>, vector<16xf32>,
    %get3A_735 = vector.shape_cast %get3A_734 : vector<16xf32> to vector<16xf32>
    %lt3A_736 = arith.cmpi slt, %add3A_729, %get3A_52 : vector<16xi32>
    %jit3A_737 = arith.constant 0.000000e+00 : f32
    %broadcast_in_dim3A_738 = vector.broadcast %jit3A_737 : f32 to vector<16xf32>
    %select_n3A_739 = arith.select %lt3A_736, %get3A_732, %broadcast_in_dim3A_738 : vector<16xi1>, vector<16xf32>
    %add3A_740 = arith.addf %add3A_723, %select_n3A_739 : vector<16xf32>
    %add3A_741 = arith.constant 1 : i32
    %add3A_742 = vector.broadcast %add3A_741 : i32 to vector<16xi32>
    %add3A_743 = arith.addi %add3A_729, %add3A_742 : vector<16xi32>
    %lt3A_744 = arith.cmpi slt, %add3A_743, %get3A_52 : vector<16xi32>
    %lt3A_745 = arith.constant 511 : i32
    %lt3A_746 = vector.broadcast %lt3A_745 : i32 to vector<16xi32>
    %lt3A_747 = arith.cmpi slt, %add3A_729, %lt3A_746 : vector<16xi32>
    %and3A_748 = arith.andi %lt3A_744, %lt3A_747 : vector<16xi1>
    %jit3A_749 = arith.constant 0.000000e+00 : f32
    %broadcast_in_dim3A_750 = vector.broadcast %jit3A_749 : f32 to vector<16xf32>
    %select_n3A_751 = arith.select %and3A_748, %get3A_735, %broadcast_in_dim3A_750 : vector<16xi1>, vector<16xf32>
    %add3A_752 = arith.addf %add3A_740, %select_n3A_751 : vector<16xf32>
    %iota3A_753 = tpu.iota {dimensions = array<i32: 0>} : vector<16xi32>
    %add3A_754 = arith.constant 128 : i32
    %add3A_755 = vector.broadcast %add3A_754 : i32 to vector<16xi32>
    %add3A_756 = arith.addi %iota3A_753, %add3A_755 : vector<16xi32>
    %add3A_757 = vector.broadcast %mul3A_32 : i32 to vector<16xi32>
    %add3A_758 = arith.addi %add3A_756, %add3A_757 : vector<16xi32>
    %get3A_759 = arith.constant 128 : index
    %get3A_760 = tpu.vector_load %arg16[%get3A_759] {strides = array<i32>} : memref<256xf32, #tpu.memory_space<vmem>>, vector<16xf32>,
    %get3A_761 = vector.shape_cast %get3A_760 : vector<16xf32> to vector<16xf32>
    %get3A_762 = arith.constant 128 : index
    %get3A_763 = tpu.vector_load %arg17[%get3A_762] {strides = array<i32>} : memref<256xf32, #tpu.memory_space<vmem>>, vector<16xf32>,
    %get3A_764 = vector.shape_cast %get3A_763 : vector<16xf32> to vector<16xf32>
    %lt3A_765 = arith.cmpi slt, %add3A_758, %get3A_52 : vector<16xi32>
    %jit3A_766 = arith.constant 0.000000e+00 : f32
    %broadcast_in_dim3A_767 = vector.broadcast %jit3A_766 : f32 to vector<16xf32>
    %select_n3A_768 = arith.select %lt3A_765, %get3A_761, %broadcast_in_dim3A_767 : vector<16xi1>, vector<16xf32>
    %add3A_769 = arith.addf %add3A_752, %select_n3A_768 : vector<16xf32>
    %add3A_770 = arith.constant 1 : i32
    %add3A_771 = vector.broadcast %add3A_770 : i32 to vector<16xi32>
    %add3A_772 = arith.addi %add3A_758, %add3A_771 : vector<16xi32>
    %lt3A_773 = arith.cmpi slt, %add3A_772, %get3A_52 : vector<16xi32>
    %lt3A_774 = arith.constant 511 : i32
    %lt3A_775 = vector.broadcast %lt3A_774 : i32 to vector<16xi32>
    %lt3A_776 = arith.cmpi slt, %add3A_758, %lt3A_775 : vector<16xi32>
    %and3A_777 = arith.andi %lt3A_773, %lt3A_776 : vector<16xi1>
    %jit3A_778 = arith.constant 0.000000e+00 : f32
    %broadcast_in_dim3A_779 = vector.broadcast %jit3A_778 : f32 to vector<16xf32>
    %select_n3A_780 = arith.select %and3A_777, %get3A_764, %broadcast_in_dim3A_779 : vector<16xi1>, vector<16xf32>
    %add3A_781 = arith.addf %add3A_769, %select_n3A_780 : vector<16xf32>
    %iota3A_782 = tpu.iota {dimensions = array<i32: 0>} : vector<16xi32>
    %add3A_783 = arith.constant 144 : i32
    %add3A_784 = vector.broadcast %add3A_783 : i32 to vector<16xi32>
    %add3A_785 = arith.addi %iota3A_782, %add3A_784 : vector<16xi32>
    %add3A_786 = vector.broadcast %mul3A_32 : i32 to vector<16xi32>
    %add3A_787 = arith.addi %add3A_785, %add3A_786 : vector<16xi32>
    %get3A_788 = arith.constant 144 : index
    %get3A_789 = tpu.vector_load %arg16[%get3A_788] {strides = array<i32>} : memref<256xf32, #tpu.memory_space<vmem>>, vector<16xf32>,
    %get3A_790 = vector.shape_cast %get3A_789 : vector<16xf32> to vector<16xf32>
    %get3A_791 = arith.constant 144 : index
    %get3A_792 = tpu.vector_load %arg17[%get3A_791] {strides = array<i32>} : memref<256xf32, #tpu.memory_space<vmem>>, vector<16xf32>,
    %get3A_793 = vector.shape_cast %get3A_792 : vector<16xf32> to vector<16xf32>
    %lt3A_794 = arith.cmpi slt, %add3A_787, %get3A_52 : vector<16xi32>
    %jit3A_795 = arith.constant 0.000000e+00 : f32
    %broadcast_in_dim3A_796 = vector.broadcast %jit3A_795 : f32 to vector<16xf32>
    %select_n3A_797 = arith.select %lt3A_794, %get3A_790, %broadcast_in_dim3A_796 : vector<16xi1>, vector<16xf32>
    %add3A_798 = arith.addf %add3A_781, %select_n3A_797 : vector<16xf32>
    %add3A_799 = arith.constant 1 : i32
    %add3A_800 = vector.broadcast %add3A_799 : i32 to vector<16xi32>
    %add3A_801 = arith.addi %add3A_787, %add3A_800 : vector<16xi32>
    %lt3A_802 = arith.cmpi slt, %add3A_801, %get3A_52 : vector<16xi32>
    %lt3A_803 = arith.constant 511 : i32
    %lt3A_804 = vector.broadcast %lt3A_803 : i32 to vector<16xi32>
    %lt3A_805 = arith.cmpi slt, %add3A_787, %lt3A_804 : vector<16xi32>
    %and3A_806 = arith.andi %lt3A_802, %lt3A_805 : vector<16xi1>
    %jit3A_807 = arith.constant 0.000000e+00 : f32
    %broadcast_in_dim3A_808 = vector.broadcast %jit3A_807 : f32 to vector<16xf32>
    %select_n3A_809 = arith.select %and3A_806, %get3A_793, %broadcast_in_dim3A_808 : vector<16xi1>, vector<16xf32>
    %add3A_810 = arith.addf %add3A_798, %select_n3A_809 : vector<16xf32>
    %iota3A_811 = tpu.iota {dimensions = array<i32: 0>} : vector<16xi32>
    %add3A_812 = arith.constant 160 : i32
    %add3A_813 = vector.broadcast %add3A_812 : i32 to vector<16xi32>
    %add3A_814 = arith.addi %iota3A_811, %add3A_813 : vector<16xi32>
    %add3A_815 = vector.broadcast %mul3A_32 : i32 to vector<16xi32>
    %add3A_816 = arith.addi %add3A_814, %add3A_815 : vector<16xi32>
    %get3A_817 = arith.constant 160 : index
    %get3A_818 = tpu.vector_load %arg16[%get3A_817] {strides = array<i32>} : memref<256xf32, #tpu.memory_space<vmem>>, vector<16xf32>,
    %get3A_819 = vector.shape_cast %get3A_818 : vector<16xf32> to vector<16xf32>
    %get3A_820 = arith.constant 160 : index
    %get3A_821 = tpu.vector_load %arg17[%get3A_820] {strides = array<i32>} : memref<256xf32, #tpu.memory_space<vmem>>, vector<16xf32>,
    %get3A_822 = vector.shape_cast %get3A_821 : vector<16xf32> to vector<16xf32>
    %lt3A_823 = arith.cmpi slt, %add3A_816, %get3A_52 : vector<16xi32>
    %jit3A_824 = arith.constant 0.000000e+00 : f32
    %broadcast_in_dim3A_825 = vector.broadcast %jit3A_824 : f32 to vector<16xf32>
    %select_n3A_826 = arith.select %lt3A_823, %get3A_819, %broadcast_in_dim3A_825 : vector<16xi1>, vector<16xf32>
    %add3A_827 = arith.addf %add3A_810, %select_n3A_826 : vector<16xf32>
    %add3A_828 = arith.constant 1 : i32
    %add3A_829 = vector.broadcast %add3A_828 : i32 to vector<16xi32>
    %add3A_830 = arith.addi %add3A_816, %add3A_829 : vector<16xi32>
    %lt3A_831 = arith.cmpi slt, %add3A_830, %get3A_52 : vector<16xi32>
    %lt3A_832 = arith.constant 511 : i32
    %lt3A_833 = vector.broadcast %lt3A_832 : i32 to vector<16xi32>
    %lt3A_834 = arith.cmpi slt, %add3A_816, %lt3A_833 : vector<16xi32>
    %and3A_835 = arith.andi %lt3A_831, %lt3A_834 : vector<16xi1>
    %jit3A_836 = arith.constant 0.000000e+00 : f32
    %broadcast_in_dim3A_837 = vector.broadcast %jit3A_836 : f32 to vector<16xf32>
    %select_n3A_838 = arith.select %and3A_835, %get3A_822, %broadcast_in_dim3A_837 : vector<16xi1>, vector<16xf32>
    %add3A_839 = arith.addf %add3A_827, %select_n3A_838 : vector<16xf32>
    %iota3A_840 = tpu.iota {dimensions = array<i32: 0>} : vector<16xi32>
    %add3A_841 = arith.constant 176 : i32
    %add3A_842 = vector.broadcast %add3A_841 : i32 to vector<16xi32>
    %add3A_843 = arith.addi %iota3A_840, %add3A_842 : vector<16xi32>
    %add3A_844 = vector.broadcast %mul3A_32 : i32 to vector<16xi32>
    %add3A_845 = arith.addi %add3A_843, %add3A_844 : vector<16xi32>
    %get3A_846 = arith.constant 176 : index
    %get3A_847 = tpu.vector_load %arg16[%get3A_846] {strides = array<i32>} : memref<256xf32, #tpu.memory_space<vmem>>, vector<16xf32>,
    %get3A_848 = vector.shape_cast %get3A_847 : vector<16xf32> to vector<16xf32>
    %get3A_849 = arith.constant 176 : index
    %get3A_850 = tpu.vector_load %arg17[%get3A_849] {strides = array<i32>} : memref<256xf32, #tpu.memory_space<vmem>>, vector<16xf32>,
    %get3A_851 = vector.shape_cast %get3A_850 : vector<16xf32> to vector<16xf32>
    %lt3A_852 = arith.cmpi slt, %add3A_845, %get3A_52 : vector<16xi32>
    %jit3A_853 = arith.constant 0.000000e+00 : f32
    %broadcast_in_dim3A_854 = vector.broadcast %jit3A_853 : f32 to vector<16xf32>
    %select_n3A_855 = arith.select %lt3A_852, %get3A_848, %broadcast_in_dim3A_854 : vector<16xi1>, vector<16xf32>
    %add3A_856 = arith.addf %add3A_839, %select_n3A_855 : vector<16xf32>
    %add3A_857 = arith.constant 1 : i32
    %add3A_858 = vector.broadcast %add3A_857 : i32 to vector<16xi32>
    %add3A_859 = arith.addi %add3A_845, %add3A_858 : vector<16xi32>
    %lt3A_860 = arith.cmpi slt, %add3A_859, %get3A_52 : vector<16xi32>
    %lt3A_861 = arith.constant 511 : i32
    %lt3A_862 = vector.broadcast %lt3A_861 : i32 to vector<16xi32>
    %lt3A_863 = arith.cmpi slt, %add3A_845, %lt3A_862 : vector<16xi32>
    %and3A_864 = arith.andi %lt3A_860, %lt3A_863 : vector<16xi1>
    %jit3A_865 = arith.constant 0.000000e+00 : f32
    %broadcast_in_dim3A_866 = vector.broadcast %jit3A_865 : f32 to vector<16xf32>
    %select_n3A_867 = arith.select %and3A_864, %get3A_851, %broadcast_in_dim3A_866 : vector<16xi1>, vector<16xf32>
    %add3A_868 = arith.addf %add3A_856, %select_n3A_867 : vector<16xf32>
    %iota3A_869 = tpu.iota {dimensions = array<i32: 0>} : vector<16xi32>
    %add3A_870 = arith.constant 192 : i32
    %add3A_871 = vector.broadcast %add3A_870 : i32 to vector<16xi32>
    %add3A_872 = arith.addi %iota3A_869, %add3A_871 : vector<16xi32>
    %add3A_873 = vector.broadcast %mul3A_32 : i32 to vector<16xi32>
    %add3A_874 = arith.addi %add3A_872, %add3A_873 : vector<16xi32>
    %get3A_875 = arith.constant 192 : index
    %get3A_876 = tpu.vector_load %arg16[%get3A_875] {strides = array<i32>} : memref<256xf32, #tpu.memory_space<vmem>>, vector<16xf32>,
    %get3A_877 = vector.shape_cast %get3A_876 : vector<16xf32> to vector<16xf32>
    %get3A_878 = arith.constant 192 : index
    %get3A_879 = tpu.vector_load %arg17[%get3A_878] {strides = array<i32>} : memref<256xf32, #tpu.memory_space<vmem>>, vector<16xf32>,
    %get3A_880 = vector.shape_cast %get3A_879 : vector<16xf32> to vector<16xf32>
    %lt3A_881 = arith.cmpi slt, %add3A_874, %get3A_52 : vector<16xi32>
    %jit3A_882 = arith.constant 0.000000e+00 : f32
    %broadcast_in_dim3A_883 = vector.broadcast %jit3A_882 : f32 to vector<16xf32>
    %select_n3A_884 = arith.select %lt3A_881, %get3A_877, %broadcast_in_dim3A_883 : vector<16xi1>, vector<16xf32>
    %add3A_885 = arith.addf %add3A_868, %select_n3A_884 : vector<16xf32>
    %add3A_886 = arith.constant 1 : i32
    %add3A_887 = vector.broadcast %add3A_886 : i32 to vector<16xi32>
    %add3A_888 = arith.addi %add3A_874, %add3A_887 : vector<16xi32>
    %lt3A_889 = arith.cmpi slt, %add3A_888, %get3A_52 : vector<16xi32>
    %lt3A_890 = arith.constant 511 : i32
    %lt3A_891 = vector.broadcast %lt3A_890 : i32 to vector<16xi32>
    %lt3A_892 = arith.cmpi slt, %add3A_874, %lt3A_891 : vector<16xi32>
    %and3A_893 = arith.andi %lt3A_889, %lt3A_892 : vector<16xi1>
    %jit3A_894 = arith.constant 0.000000e+00 : f32
    %broadcast_in_dim3A_895 = vector.broadcast %jit3A_894 : f32 to vector<16xf32>
    %select_n3A_896 = arith.select %and3A_893, %get3A_880, %broadcast_in_dim3A_895 : vector<16xi1>, vector<16xf32>
    %add3A_897 = arith.addf %add3A_885, %select_n3A_896 : vector<16xf32>
    %iota3A_898 = tpu.iota {dimensions = array<i32: 0>} : vector<16xi32>
    %add3A_899 = arith.constant 208 : i32
    %add3A_900 = vector.broadcast %add3A_899 : i32 to vector<16xi32>
    %add3A_901 = arith.addi %iota3A_898, %add3A_900 : vector<16xi32>
    %add3A_902 = vector.broadcast %mul3A_32 : i32 to vector<16xi32>
    %add3A_903 = arith.addi %add3A_901, %add3A_902 : vector<16xi32>
    %get3A_904 = arith.constant 208 : index
    %get3A_905 = tpu.vector_load %arg16[%get3A_904] {strides = array<i32>} : memref<256xf32, #tpu.memory_space<vmem>>, vector<16xf32>,
    %get3A_906 = vector.shape_cast %get3A_905 : vector<16xf32> to vector<16xf32>
    %get3A_907 = arith.constant 208 : index
    %get3A_908 = tpu.vector_load %arg17[%get3A_907] {strides = array<i32>} : memref<256xf32, #tpu.memory_space<vmem>>, vector<16xf32>,
    %get3A_909 = vector.shape_cast %get3A_908 : vector<16xf32> to vector<16xf32>
    %lt3A_910 = arith.cmpi slt, %add3A_903, %get3A_52 : vector<16xi32>
    %jit3A_911 = arith.constant 0.000000e+00 : f32
    %broadcast_in_dim3A_912 = vector.broadcast %jit3A_911 : f32 to vector<16xf32>
    %select_n3A_913 = arith.select %lt3A_910, %get3A_906, %broadcast_in_dim3A_912 : vector<16xi1>, vector<16xf32>
    %add3A_914 = arith.addf %add3A_897, %select_n3A_913 : vector<16xf32>
    %add3A_915 = arith.constant 1 : i32
    %add3A_916 = vector.broadcast %add3A_915 : i32 to vector<16xi32>
    %add3A_917 = arith.addi %add3A_903, %add3A_916 : vector<16xi32>
    %lt3A_918 = arith.cmpi slt, %add3A_917, %get3A_52 : vector<16xi32>
    %lt3A_919 = arith.constant 511 : i32
    %lt3A_920 = vector.broadcast %lt3A_919 : i32 to vector<16xi32>
    %lt3A_921 = arith.cmpi slt, %add3A_903, %lt3A_920 : vector<16xi32>
    %and3A_922 = arith.andi %lt3A_918, %lt3A_921 : vector<16xi1>
    %jit3A_923 = arith.constant 0.000000e+00 : f32
    %broadcast_in_dim3A_924 = vector.broadcast %jit3A_923 : f32 to vector<16xf32>
    %select_n3A_925 = arith.select %and3A_922, %get3A_909, %broadcast_in_dim3A_924 : vector<16xi1>, vector<16xf32>
    %add3A_926 = arith.addf %add3A_914, %select_n3A_925 : vector<16xf32>
    %iota3A_927 = tpu.iota {dimensions = array<i32: 0>} : vector<16xi32>
    %add3A_928 = arith.constant 224 : i32
    %add3A_929 = vector.broadcast %add3A_928 : i32 to vector<16xi32>
    %add3A_930 = arith.addi %iota3A_927, %add3A_929 : vector<16xi32>
    %add3A_931 = vector.broadcast %mul3A_32 : i32 to vector<16xi32>
    %add3A_932 = arith.addi %add3A_930, %add3A_931 : vector<16xi32>
    %get3A_933 = arith.constant 224 : index
    %get3A_934 = tpu.vector_load %arg16[%get3A_933] {strides = array<i32>} : memref<256xf32, #tpu.memory_space<vmem>>, vector<16xf32>,
    %get3A_935 = vector.shape_cast %get3A_934 : vector<16xf32> to vector<16xf32>
    %get3A_936 = arith.constant 224 : index
    %get3A_937 = tpu.vector_load %arg17[%get3A_936] {strides = array<i32>} : memref<256xf32, #tpu.memory_space<vmem>>, vector<16xf32>,
    %get3A_938 = vector.shape_cast %get3A_937 : vector<16xf32> to vector<16xf32>
    %lt3A_939 = arith.cmpi slt, %add3A_932, %get3A_52 : vector<16xi32>
    %jit3A_940 = arith.constant 0.000000e+00 : f32
    %broadcast_in_dim3A_941 = vector.broadcast %jit3A_940 : f32 to vector<16xf32>
    %select_n3A_942 = arith.select %lt3A_939, %get3A_935, %broadcast_in_dim3A_941 : vector<16xi1>, vector<16xf32>
    %add3A_943 = arith.addf %add3A_926, %select_n3A_942 : vector<16xf32>
    %add3A_944 = arith.constant 1 : i32
    %add3A_945 = vector.broadcast %add3A_944 : i32 to vector<16xi32>
    %add3A_946 = arith.addi %add3A_932, %add3A_945 : vector<16xi32>
    %lt3A_947 = arith.cmpi slt, %add3A_946, %get3A_52 : vector<16xi32>
    %lt3A_948 = arith.constant 511 : i32
    %lt3A_949 = vector.broadcast %lt3A_948 : i32 to vector<16xi32>
    %lt3A_950 = arith.cmpi slt, %add3A_932, %lt3A_949 : vector<16xi32>
    %and3A_951 = arith.andi %lt3A_947, %lt3A_950 : vector<16xi1>
    %jit3A_952 = arith.constant 0.000000e+00 : f32
    %broadcast_in_dim3A_953 = vector.broadcast %jit3A_952 : f32 to vector<16xf32>
    %select_n3A_954 = arith.select %and3A_951, %get3A_938, %broadcast_in_dim3A_953 : vector<16xi1>, vector<16xf32>
    %add3A_955 = arith.addf %add3A_943, %select_n3A_954 : vector<16xf32>
    %iota3A_956 = tpu.iota {dimensions = array<i32: 0>} : vector<16xi32>
    %add3A_957 = arith.constant 240 : i32
    %add3A_958 = vector.broadcast %add3A_957 : i32 to vector<16xi32>
    %add3A_959 = arith.addi %iota3A_956, %add3A_958 : vector<16xi32>
    %add3A_960 = vector.broadcast %mul3A_32 : i32 to vector<16xi32>
    %add3A_961 = arith.addi %add3A_959, %add3A_960 : vector<16xi32>
    %get3A_962 = arith.constant 240 : index
    %get3A_963 = tpu.vector_load %arg16[%get3A_962] {strides = array<i32>} : memref<256xf32, #tpu.memory_space<vmem>>, vector<16xf32>,
    %get3A_964 = vector.shape_cast %get3A_963 : vector<16xf32> to vector<16xf32>
    %get3A_965 = arith.constant 240 : index
    %get3A_966 = tpu.vector_load %arg17[%get3A_965] {strides = array<i32>} : memref<256xf32, #tpu.memory_space<vmem>>, vector<16xf32>,
    %get3A_967 = vector.shape_cast %get3A_966 : vector<16xf32> to vector<16xf32>
    %lt3A_968 = arith.cmpi slt, %add3A_961, %get3A_52 : vector<16xi32>
    %jit3A_969 = arith.constant 0.000000e+00 : f32
    %broadcast_in_dim3A_970 = vector.broadcast %jit3A_969 : f32 to vector<16xf32>
    %select_n3A_971 = arith.select %lt3A_968, %get3A_964, %broadcast_in_dim3A_970 : vector<16xi1>, vector<16xf32>
    %add3A_972 = arith.addf %add3A_955, %select_n3A_971 : vector<16xf32>
    %add3A_973 = arith.constant 1 : i32
    %add3A_974 = vector.broadcast %add3A_973 : i32 to vector<16xi32>
    %add3A_975 = arith.addi %add3A_961, %add3A_974 : vector<16xi32>
    %lt3A_976 = arith.cmpi slt, %add3A_975, %get3A_52 : vector<16xi32>
    %lt3A_977 = arith.constant 511 : i32
    %lt3A_978 = vector.broadcast %lt3A_977 : i32 to vector<16xi32>
    %lt3A_979 = arith.cmpi slt, %add3A_961, %lt3A_978 : vector<16xi32>
    %and3A_980 = arith.andi %lt3A_976, %lt3A_979 : vector<16xi1>
    %jit3A_981 = arith.constant 0.000000e+00 : f32
    %broadcast_in_dim3A_982 = vector.broadcast %jit3A_981 : f32 to vector<16xf32>
    %select_n3A_983 = arith.select %and3A_980, %get3A_967, %broadcast_in_dim3A_982 : vector<16xi1>, vector<16xf32>
    %add3A_984 = arith.addf %add3A_972, %select_n3A_983 : vector<16xf32>
    %swap3A_985 = arith.constant 0 : index
    %swap3A_986 = tpu.vector_load %arg18[%swap3A_985] {strides = array<i32>} : memref<16xf32, #tpu.memory_space<vmem>>, vector<16xf32>,
    %swap3A_987 = vector.shape_cast %swap3A_986 : vector<16xf32> to vector<16xf32>
    %swap3A_988 = vector.shape_cast %add3A_984 : vector<16xf32> to vector<16xf32>
    tpu.vector_store %arg18[%swap3A_985], %swap3A_988 {strides = array<i32>} : memref<16xf32, #tpu.memory_space<vmem>>, vector<16xf32>,
    "tpu.region"() ({
      %run_scoped3A = tpu.sem_alloc : memref<!tpu.dma_semaphore, #tpu.memory_space<semaphore_mem>>
      %dma_start3A_989 = arith.constant 0 : i32
      %dma_start3A_990 = tpu.memref_slice %arg10[%add3A, %dma_start3A_989] : memref<34x16xf32, #tpu.memory_space<hbm>> -> memref<1x16xf32, #tpu.memory_space<hbm>>
      %dma_start3A_991 = tpu.memref_squeeze %dma_start3A_990 : memref<1x16xf32, #tpu.memory_space<hbm>> -> memref<16xf32, #tpu.memory_space<hbm>>
      %dma_start3A_992 = arith.constant 0 : i32
      %dma_start3A_993 = tpu.memref_slice %arg10[%add3A, %dma_start3A_992] : memref<34x16xf32, #tpu.memory_space<hbm>> -> memref<1x16xf32, #tpu.memory_space<hbm>>
      %dma_start3A_994 = tpu.memref_squeeze %dma_start3A_993 : memref<1x16xf32, #tpu.memory_space<hbm>> -> memref<16xf32, #tpu.memory_space<hbm>>
      tpu.enqueue_dma source(%arg18 : memref<16xf32, #tpu.memory_space<vmem>>) target(%dma_start3A_994 : memref<16xf32, #tpu.memory_space<hbm>>) target_semaphore(%run_scoped3A : memref<!tpu.dma_semaphore, #tpu.memory_space<semaphore_mem>>)
      %dma_wait3A_995 = arith.constant 0 : i32
      %dma_wait3A_996 = tpu.memref_slice %arg10[%add3A, %dma_wait3A_995] : memref<34x16xf32, #tpu.memory_space<hbm>> -> memref<1x16xf32, #tpu.memory_space<hbm>>
      %dma_wait3A_997 = tpu.memref_squeeze %dma_wait3A_996 : memref<1x16xf32, #tpu.memory_space<hbm>> -> memref<16xf32, #tpu.memory_space<hbm>>
      %dma_wait3A_998 = arith.constant 0 : i32
      %dma_wait3A_999 = tpu.memref_slice %arg10[%add3A, %dma_wait3A_998] : memref<34x16xf32, #tpu.memory_space<hbm>> -> memref<1x16xf32, #tpu.memory_space<hbm>>
      %dma_wait3A_1000 = tpu.memref_squeeze %dma_wait3A_999 : memref<1x16xf32, #tpu.memory_space<hbm>> -> memref<16xf32, #tpu.memory_space<hbm>>
      tpu.wait_dma2 semaphore(%run_scoped3A : memref<!tpu.dma_semaphore, #tpu.memory_space<semaphore_mem>>) src(%arg18 : memref<16xf32, #tpu.memory_space<vmem>>) dst(%dma_wait3A_1000 : memref<16xf32, #tpu.memory_space<hbm>>)
      tpu.yield
    }) : () -> ()
    return
  }
}

module attributes {stable_mosaic.version = 14 : i64} {
  func.func @_partition_body(%arg0: memref<512x16x64xf32, #tpu.memory_space<vmem>>, %arg1: memref<16x1xi32, #tpu.memory_space<vmem>>, %arg2: memref<64x64xf32, #tpu.memory_space<vmem>>, %arg3: memref<64x64xf32, #tpu.memory_space<vmem>>, %arg4: memref<1x64xf32, #tpu.memory_space<vmem>>, %arg5: memref<1x64xf32, #tpu.memory_space<vmem>>, %arg6: memref<16x1xf32, #tpu.memory_space<vmem>>, %arg7: memref<512x16x72xbf16, #tpu.memory_space<vmem>>) attributes {dimension_semantics = [], scalar_prefetch = 0 : i64, scratch_operands = 1 : i64, tpu.core_type = #tpu.core_type<tc>} {
    %get3A = arith.constant 0 : index
    %get3A_0 = arith.constant 0 : index
    %get3A_1 = arith.constant 0 : index
    %get3A_2 = vector.load %arg0[%get3A, %get3A_0, %get3A_1] : memref<512x16x64xf32, #tpu.memory_space<vmem>>, vector<512x16x64xf32>
    %get3A_3 = arith.constant 0 : index
    %get3A_4 = arith.constant 0 : index
    %get3A_5 = vector.load %arg1[%get3A_3, %get3A_4] : memref<16x1xi32, #tpu.memory_space<vmem>>, vector<16x1xi32>
    %reshape3A = vector.shape_cast %get3A_5 : vector<16x1xi32> to vector<1x16x1xi32>
    %iota3A = tpu.iota {dimensions = array<i32: 0>} : vector<512x16x64xi32>
    %lt3A = vector.broadcast %reshape3A : vector<1x16x1xi32> to vector<512x16x64xi32>
    %lt3A_6 = arith.cmpi slt, %iota3A, %lt3A : vector<512x16x64xi32>
    %exp3A = math.exp %get3A_2 : vector<512x16x64xf32>
    %jit3A = arith.constant 0.000000e+00 : f32
    %broadcast_in_dim3A = vector.broadcast %jit3A : f32 to vector<512x16x64xf32>
    %select_n3A = arith.select %lt3A_6, %exp3A, %broadcast_in_dim3A : vector<512x16x64xi1>, vector<512x16x64xf32>
    %iota3A_7 = tpu.iota {dimensions = array<i32: 2>} : vector<512x16x8xi32>
    %slice3A = vector.extract_strided_slice %iota3A {offsets = [0, 0, 0], sizes = [512, 16, 1], strides = [1, 1, 1]} : vector<512x16x64xi32> to vector<512x16x1xi32>
    %eq3A = vector.broadcast %reshape3A : vector<1x16x1xi32> to vector<512x16x1xi32>
    %eq3A_8 = arith.cmpi eq, %slice3A, %eq3A : vector<512x16x1xi32>
    %convert_element_type3A = arith.extui %eq3A_8 : vector<512x16x1xi1> to vector<512x16x1xi32>
    %convert_element_type3A_9 = arith.sitofp %convert_element_type3A : vector<512x16x1xi32> to vector<512x16x1xf32>
    %eq3A_10 = arith.constant 0 : i32
    %eq3A_11 = vector.broadcast %eq3A_10 : i32 to vector<512x16x8xi32>
    %eq3A_12 = arith.cmpi eq, %iota3A_7, %eq3A_11 : vector<512x16x8xi32>
    %eq3A_13 = arith.constant 1 : i32
    %eq3A_14 = vector.broadcast %eq3A_13 : i32 to vector<512x16x8xi32>
    %eq3A_15 = arith.cmpi eq, %iota3A_7, %eq3A_14 : vector<512x16x8xi32>
    %jit3A_16 = arith.constant 1.000000e+00 : f32
    %jit3A_17 = arith.constant 0.000000e+00 : f32
    %broadcast_in_dim3A_18 = vector.broadcast %jit3A_16 : f32 to vector<512x16x8xf32>
    %broadcast_in_dim3A_19 = vector.broadcast %jit3A_17 : f32 to vector<512x16x8xf32>
    %select_n3A_20 = arith.select %eq3A_15, %broadcast_in_dim3A_18, %broadcast_in_dim3A_19 : vector<512x16x8xi1>, vector<512x16x8xf32>
    %broadcast_in_dim3A_21 = vector.shape_cast %convert_element_type3A_9 : vector<512x16x1xf32> to vector<512x16x1xf32>
    %broadcast_in_dim3A_22 = vector.broadcast %broadcast_in_dim3A_21 : vector<512x16x1xf32> to vector<512x16x8xf32>
    %select_n3A_23 = arith.select %eq3A_12, %broadcast_in_dim3A_22, %select_n3A_20 : vector<512x16x8xi1>, vector<512x16x8xf32>
    %concatenate3A = tpu.concatenate %select_n3A, %select_n3A_23 in 2 : vector<512x16x64xf32>, vector<512x16x8xf32> -> vector<512x16x72xf32>
    %convert_element_type3A_24 = arith.truncf %concatenate3A : vector<512x16x72xf32> to vector<512x16x72xbf16>
    %swap3A = arith.constant 0 : index
    %swap3A_25 = arith.constant 0 : index
    %swap3A_26 = arith.constant 0 : index
    %swap3A_27 = vector.load %arg7[%swap3A, %swap3A_25, %swap3A_26] : memref<512x16x72xbf16, #tpu.memory_space<vmem>>, vector<512x16x72xbf16>
    tpu.vector_store %arg7[%swap3A, %swap3A_25, %swap3A_26], %convert_element_type3A_24 {strides = array<i32>} : memref<512x16x72xbf16, #tpu.memory_space<vmem>>, vector<512x16x72xbf16>,
    %get3A_28 = arith.constant 0 : index
    %get3A_29 = arith.constant 0 : index
    %get3A_30 = vector.load %arg5[%get3A_28, %get3A_29] : memref<1x64xf32, #tpu.memory_space<vmem>>, vector<1x64xf32>
    %exp3A_31 = math.exp %get3A_30 : vector<1x64xf32>
    %transpose3A = tpu.transpose %exp3A_31, [1, 0] : vector<1x64xf32> -> vector<64x1xf32>
    %iota3A_32 = tpu.iota {dimensions = array<i32: 1>} : vector<64x8xi32>
    %get3A_33 = arith.constant 0 : index
    %get3A_34 = arith.constant 0 : index
    %get3A_35 = vector.load %arg2[%get3A_33, %get3A_34] : memref<64x64xf32, #tpu.memory_space<vmem>>, vector<64x64xf32>
    %exp3A_36 = math.exp %get3A_35 : vector<64x64xf32>
    %eq3A_37 = arith.constant 0 : i32
    %eq3A_38 = vector.broadcast %eq3A_37 : i32 to vector<64x8xi32>
    %eq3A_39 = arith.cmpi eq, %iota3A_32, %eq3A_38 : vector<64x8xi32>
    %jit3A_40 = arith.constant 0.000000e+00 : f32
    %broadcast_in_dim3A_41 = vector.shape_cast %transpose3A : vector<64x1xf32> to vector<64x1xf32>
    %broadcast_in_dim3A_42 = vector.broadcast %broadcast_in_dim3A_41 : vector<64x1xf32> to vector<64x8xf32>
    %broadcast_in_dim3A_43 = vector.broadcast %jit3A_40 : f32 to vector<64x8xf32>
    %select_n3A_44 = arith.select %eq3A_39, %broadcast_in_dim3A_42, %broadcast_in_dim3A_43 : vector<64x8xi1>, vector<64x8xf32>
    %concatenate3A_45 = tpu.concatenate %exp3A_36, %select_n3A_44 in 1 : vector<64x64xf32>, vector<64x8xf32> -> vector<64x72xf32>
    %iota3A_46 = tpu.iota {dimensions = array<i32: 0>} : vector<8x72xi32>
    %iota3A_47 = tpu.iota {dimensions = array<i32: 1>} : vector<8x72xi32>
    %le3A = arith.constant 1 : i32
    %le3A_48 = vector.broadcast %le3A : i32 to vector<8x72xi32>
    %le3A_49 = arith.cmpi sle, %iota3A_46, %le3A_48 : vector<8x72xi32>
    %eq3A_50 = arith.constant 65 : i32
    %eq3A_51 = vector.broadcast %eq3A_50 : i32 to vector<8x72xi32>
    %eq3A_52 = arith.cmpi eq, %iota3A_47, %eq3A_51 : vector<8x72xi32>
    %and3A = arith.andi %le3A_49, %eq3A_52 : vector<8x72xi1>
    %convert_element_type3A_53 = arith.extui %and3A : vector<8x72xi1> to vector<8x72xi32>
    %convert_element_type3A_54 = arith.sitofp %convert_element_type3A_53 : vector<8x72xi32> to vector<8x72xf32>
    %concatenate3A_55 = tpu.concatenate %concatenate3A_45, %convert_element_type3A_54 in 0 : vector<64x72xf32>, vector<8x72xf32> -> vector<72x72xf32>
    %convert_element_type3A_56 = arith.truncf %concatenate3A_55 : vector<72x72xf32> to vector<72x72xbf16>
    %get3A_57 = arith.constant 0 : index
    %get3A_58 = arith.constant 0 : index
    %get3A_59 = vector.load %arg3[%get3A_57, %get3A_58] : memref<64x64xf32, #tpu.memory_space<vmem>>, vector<64x64xf32>
    %exp3A_60 = math.exp %get3A_59 : vector<64x64xf32>
    %broadcast_in_dim3A_61 = arith.constant 0.000000e+00 : f32
    %broadcast_in_dim3A_62 = vector.broadcast %broadcast_in_dim3A_61 : f32 to vector<64x8xf32>
    %concatenate3A_63 = tpu.concatenate %exp3A_60, %broadcast_in_dim3A_62 in 1 : vector<64x64xf32>, vector<64x8xf32> -> vector<64x72xf32>
    %broadcast_in_dim3A_64 = arith.constant 0.000000e+00 : f32
    %broadcast_in_dim3A_65 = vector.broadcast %broadcast_in_dim3A_64 : f32 to vector<1x8xf32>
    %concatenate3A_66 = tpu.concatenate %exp3A_31, %broadcast_in_dim3A_65 in 1 : vector<1x64xf32>, vector<1x8xf32> -> vector<1x72xf32>
    %eq3A_67 = arith.constant 0 : i32
    %eq3A_68 = vector.broadcast %eq3A_67 : i32 to vector<8x72xi32>
    %eq3A_69 = arith.cmpi eq, %iota3A_46, %eq3A_68 : vector<8x72xi32>
    %broadcast_in_dim3A_70 = vector.shape_cast %concatenate3A_66 : vector<1x72xf32> to vector<1x72xf32>
    %broadcast_in_dim3A_71 = vector.broadcast %broadcast_in_dim3A_70 : vector<1x72xf32> to vector<8x72xf32>
    %eq3A_72 = arith.constant 1 : i32
    %eq3A_73 = vector.broadcast %eq3A_72 : i32 to vector<8x72xi32>
    %eq3A_74 = arith.cmpi eq, %iota3A_46, %eq3A_73 : vector<8x72xi32>
    %eq3A_75 = arith.constant 64 : i32
    %eq3A_76 = vector.broadcast %eq3A_75 : i32 to vector<8x72xi32>
    %eq3A_77 = arith.cmpi eq, %iota3A_47, %eq3A_76 : vector<8x72xi32>
    %eq3A_78 = arith.constant 65 : i32
    %eq3A_79 = vector.broadcast %eq3A_78 : i32 to vector<8x72xi32>
    %eq3A_80 = arith.cmpi eq, %iota3A_47, %eq3A_79 : vector<8x72xi32>
    %or3A = arith.ori %eq3A_77, %eq3A_80 : vector<8x72xi1>
    %and3A_81 = arith.andi %eq3A_74, %or3A : vector<8x72xi1>
    %jit3A_82 = arith.constant 1.000000e+00 : f32
    %jit3A_83 = arith.constant 0.000000e+00 : f32
    %broadcast_in_dim3A_84 = vector.broadcast %jit3A_82 : f32 to vector<8x72xf32>
    %broadcast_in_dim3A_85 = vector.broadcast %jit3A_83 : f32 to vector<8x72xf32>
    %select_n3A_86 = arith.select %and3A_81, %broadcast_in_dim3A_84, %broadcast_in_dim3A_85 : vector<8x72xi1>, vector<8x72xf32>
    %select_n3A_87 = arith.select %eq3A_69, %broadcast_in_dim3A_71, %select_n3A_86 : vector<8x72xi1>, vector<8x72xf32>
    %concatenate3A_88 = tpu.concatenate %concatenate3A_63, %select_n3A_87 in 0 : vector<64x72xf32>, vector<8x72xf32> -> vector<72x72xf32>
    %convert_element_type3A_89 = arith.truncf %concatenate3A_88 : vector<72x72xf32> to vector<72x72xbf16>
    %iota3A_90 = tpu.iota {dimensions = array<i32: 1>} : vector<16x72xi32>
    %get3A_91 = arith.constant 0 : index
    %get3A_92 = arith.constant 0 : index
    %get3A_93 = vector.load %arg4[%get3A_91, %get3A_92] : memref<1x64xf32, #tpu.memory_space<vmem>>, vector<1x64xf32>
    %exp3A_94 = math.exp %get3A_93 : vector<1x64xf32>
    %slice3A_95 = vector.extract_strided_slice %get3A_2 {offsets = [0, 0, 0], sizes = [1, 16, 64], strides = [1, 1, 1]} : vector<512x16x64xf32> to vector<1x16x64xf32>
    %squeeze3A = vector.shape_cast %slice3A_95 : vector<1x16x64xf32> to vector<16x64xf32>
    %exp3A_96 = math.exp %squeeze3A : vector<16x64xf32>
    %mul3A = vector.broadcast %exp3A_94 : vector<1x64xf32> to vector<16x64xf32>
    %mul3A_97 = arith.mulf %mul3A, %exp3A_96 : vector<16x64xf32>
    %broadcast_in_dim3A_98 = arith.constant 0.000000e+00 : f32
    %broadcast_in_dim3A_99 = vector.broadcast %broadcast_in_dim3A_98 : f32 to vector<16x8xf32>
    %concatenate3A_100 = tpu.concatenate %mul3A_97, %broadcast_in_dim3A_99 in 1 : vector<16x64xf32>, vector<16x8xf32> -> vector<16x72xf32>
    %convert_element_type3A_101 = arith.truncf %concatenate3A_100 : vector<16x72xf32> to vector<16x72xbf16>
    %eq3A_102 = arith.constant 64 : i32
    %eq3A_103 = vector.broadcast %eq3A_102 : i32 to vector<16x72xi32>
    %eq3A_104 = arith.cmpi eq, %iota3A_90, %eq3A_103 : vector<16x72xi32>
    %eq3A_105 = arith.constant 65 : i32
    %eq3A_106 = vector.broadcast %eq3A_105 : i32 to vector<16x72xi32>
    %eq3A_107 = arith.cmpi eq, %iota3A_90, %eq3A_106 : vector<16x72xi32>
    %or3A_108 = arith.ori %eq3A_104, %eq3A_107 : vector<16x72xi1>
    %convert_element_type3A_109 = arith.extui %or3A_108 : vector<16x72xi1> to vector<16x72xi32>
    %convert_element_type3A_110 = arith.sitofp %convert_element_type3A_109 : vector<16x72xi32> to vector<16x72xf32>
    %convert_element_type3A_111 = arith.truncf %convert_element_type3A_110 : vector<16x72xf32> to vector<16x72xbf16>
    %dot_general3A = arith.constant dense<0.000000e+00> : vector<16x72xf32>
    %dot_general3A_112 = tpu.matmul %convert_element_type3A_101, %convert_element_type3A_56, %dot_general3A {dimension_numbers = #tpu.dot_dimension_numbers<[1], [0], [0], [1], [0, 0, 1, 1], [], []>, transpose_lhs_hint = false} : vector<16x72xbf16>, vector<72x72xbf16>, vector<16x72xf32> -> vector<16x72xf32>
    %convert_element_type3A_113 = arith.truncf %dot_general3A_112 : vector<16x72xf32> to vector<16x72xbf16>
    %get3A_114 = arith.constant 1 : index
    %get3A_115 = arith.constant 0 : index
    %get3A_116 = arith.constant 0 : index
    %get3A_117 = vector.load %arg7[%get3A_114, %get3A_115, %get3A_116] : memref<512x16x72xbf16, #tpu.memory_space<vmem>>, vector<1x16x72xbf16>
    %get3A_118 = vector.shape_cast %get3A_117 : vector<1x16x72xbf16> to vector<16x72xbf16>
    %mul3A_119 = arith.mulf %convert_element_type3A_113, %get3A_118 : vector<16x72xbf16>
    %dot_general3A_120 = arith.constant dense<0.000000e+00> : vector<16x72xf32>
    %dot_general3A_121 = tpu.matmul %mul3A_119, %convert_element_type3A_56, %dot_general3A_120 {dimension_numbers = #tpu.dot_dimension_numbers<[1], [0], [0], [1], [0, 0, 1, 1], [], []>, transpose_lhs_hint = false} : vector<16x72xbf16>, vector<72x72xbf16>, vector<16x72xf32> -> vector<16x72xf32>
    %convert_element_type3A_122 = arith.truncf %dot_general3A_121 : vector<16x72xf32> to vector<16x72xbf16>
    %get3A_123 = arith.constant 2 : index
    %get3A_124 = arith.constant 0 : index
    %get3A_125 = arith.constant 0 : index
    %get3A_126 = vector.load %arg7[%get3A_123, %get3A_124, %get3A_125] : memref<512x16x72xbf16, #tpu.memory_space<vmem>>, vector<1x16x72xbf16>
    %get3A_127 = vector.shape_cast %get3A_126 : vector<1x16x72xbf16> to vector<16x72xbf16>
    %mul3A_128 = arith.mulf %convert_element_type3A_122, %get3A_127 : vector<16x72xbf16>
    %dot_general3A_129 = arith.constant dense<0.000000e+00> : vector<16x72xf32>
    %dot_general3A_130 = tpu.matmul %mul3A_128, %convert_element_type3A_56, %dot_general3A_129 {dimension_numbers = #tpu.dot_dimension_numbers<[1], [0], [0], [1], [0, 0, 1, 1], [], []>, transpose_lhs_hint = false} : vector<16x72xbf16>, vector<72x72xbf16>, vector<16x72xf32> -> vector<16x72xf32>
    %convert_element_type3A_131 = arith.truncf %dot_general3A_130 : vector<16x72xf32> to vector<16x72xbf16>
    %get3A_132 = arith.constant 3 : index
    %get3A_133 = arith.constant 0 : index
    %get3A_134 = arith.constant 0 : index
    %get3A_135 = vector.load %arg7[%get3A_132, %get3A_133, %get3A_134] : memref<512x16x72xbf16, #tpu.memory_space<vmem>>, vector<1x16x72xbf16>
    %get3A_136 = vector.shape_cast %get3A_135 : vector<1x16x72xbf16> to vector<16x72xbf16>
    %mul3A_137 = arith.mulf %convert_element_type3A_131, %get3A_136 : vector<16x72xbf16>
    %dot_general3A_138 = arith.constant dense<0.000000e+00> : vector<16x72xf32>
    %dot_general3A_139 = tpu.matmul %mul3A_137, %convert_element_type3A_56, %dot_general3A_138 {dimension_numbers = #tpu.dot_dimension_numbers<[1], [0], [0], [1], [0, 0, 1, 1], [], []>, transpose_lhs_hint = false} : vector<16x72xbf16>, vector<72x72xbf16>, vector<16x72xf32> -> vector<16x72xf32>
    %convert_element_type3A_140 = arith.truncf %dot_general3A_139 : vector<16x72xf32> to vector<16x72xbf16>
    %get3A_141 = arith.constant 4 : index
    %get3A_142 = arith.constant 0 : index
    %get3A_143 = arith.constant 0 : index
    %get3A_144 = vector.load %arg7[%get3A_141, %get3A_142, %get3A_143] : memref<512x16x72xbf16, #tpu.memory_space<vmem>>, vector<1x16x72xbf16>
    %get3A_145 = vector.shape_cast %get3A_144 : vector<1x16x72xbf16> to vector<16x72xbf16>
    %mul3A_146 = arith.mulf %convert_element_type3A_140, %get3A_145 : vector<16x72xbf16>
    %dot_general3A_147 = arith.constant dense<0.000000e+00> : vector<16x72xf32>
    %dot_general3A_148 = tpu.matmul %mul3A_146, %convert_element_type3A_56, %dot_general3A_147 {dimension_numbers = #tpu.dot_dimension_numbers<[1], [0], [0], [1], [0, 0, 1, 1], [], []>, transpose_lhs_hint = false} : vector<16x72xbf16>, vector<72x72xbf16>, vector<16x72xf32> -> vector<16x72xf32>
    %convert_element_type3A_149 = arith.truncf %dot_general3A_148 : vector<16x72xf32> to vector<16x72xbf16>
    %get3A_150 = arith.constant 5 : index
    %get3A_151 = arith.constant 0 : index
    %get3A_152 = arith.constant 0 : index
    %get3A_153 = vector.load %arg7[%get3A_150, %get3A_151, %get3A_152] : memref<512x16x72xbf16, #tpu.memory_space<vmem>>, vector<1x16x72xbf16>
    %get3A_154 = vector.shape_cast %get3A_153 : vector<1x16x72xbf16> to vector<16x72xbf16>
    %mul3A_155 = arith.mulf %convert_element_type3A_149, %get3A_154 : vector<16x72xbf16>
    %dot_general3A_156 = arith.constant dense<0.000000e+00> : vector<16x72xf32>
    %dot_general3A_157 = tpu.matmul %mul3A_155, %convert_element_type3A_56, %dot_general3A_156 {dimension_numbers = #tpu.dot_dimension_numbers<[1], [0], [0], [1], [0, 0, 1, 1], [], []>, transpose_lhs_hint = false} : vector<16x72xbf16>, vector<72x72xbf16>, vector<16x72xf32> -> vector<16x72xf32>
    %convert_element_type3A_158 = arith.truncf %dot_general3A_157 : vector<16x72xf32> to vector<16x72xbf16>
    %get3A_159 = arith.constant 6 : index
    %get3A_160 = arith.constant 0 : index
    %get3A_161 = arith.constant 0 : index
    %get3A_162 = vector.load %arg7[%get3A_159, %get3A_160, %get3A_161] : memref<512x16x72xbf16, #tpu.memory_space<vmem>>, vector<1x16x72xbf16>
    %get3A_163 = vector.shape_cast %get3A_162 : vector<1x16x72xbf16> to vector<16x72xbf16>
    %mul3A_164 = arith.mulf %convert_element_type3A_158, %get3A_163 : vector<16x72xbf16>
    %dot_general3A_165 = arith.constant dense<0.000000e+00> : vector<16x72xf32>
    %dot_general3A_166 = tpu.matmul %mul3A_164, %convert_element_type3A_56, %dot_general3A_165 {dimension_numbers = #tpu.dot_dimension_numbers<[1], [0], [0], [1], [0, 0, 1, 1], [], []>, transpose_lhs_hint = false} : vector<16x72xbf16>, vector<72x72xbf16>, vector<16x72xf32> -> vector<16x72xf32>
    %convert_element_type3A_167 = arith.truncf %dot_general3A_166 : vector<16x72xf32> to vector<16x72xbf16>
    %get3A_168 = arith.constant 7 : index
    %get3A_169 = arith.constant 0 : index
    %get3A_170 = arith.constant 0 : index
    %get3A_171 = vector.load %arg7[%get3A_168, %get3A_169, %get3A_170] : memref<512x16x72xbf16, #tpu.memory_space<vmem>>, vector<1x16x72xbf16>
    %get3A_172 = vector.shape_cast %get3A_171 : vector<1x16x72xbf16> to vector<16x72xbf16>
    %mul3A_173 = arith.mulf %convert_element_type3A_167, %get3A_172 : vector<16x72xbf16>
    %get3A_174 = arith.constant 511 : index
    %get3A_175 = arith.constant 0 : index
    %get3A_176 = arith.constant 0 : index
    %get3A_177 = vector.load %arg7[%get3A_174, %get3A_175, %get3A_176] : memref<512x16x72xbf16, #tpu.memory_space<vmem>>, vector<1x16x72xbf16>
    %get3A_178 = vector.shape_cast %get3A_177 : vector<1x16x72xbf16> to vector<16x72xbf16>
    %mul3A_179 = arith.mulf %convert_element_type3A_111, %get3A_178 : vector<16x72xbf16>
    %dot_general3A_180 = arith.constant dense<0.000000e+00> : vector<16x72xf32>
    %dot_general3A_181 = tpu.matmul %mul3A_179, %convert_element_type3A_89, %dot_general3A_180 {dimension_numbers = #tpu.dot_dimension_numbers<[1], [0], [0], [1], [0, 0, 1, 1], [], []>, transpose_lhs_hint = false} : vector<16x72xbf16>, vector<72x72xbf16>, vector<16x72xf32> -> vector<16x72xf32>
    %convert_element_type3A_182 = arith.truncf %dot_general3A_181 : vector<16x72xf32> to vector<16x72xbf16>
    %get3A_183 = arith.constant 510 : index
    %get3A_184 = arith.constant 0 : index
    %get3A_185 = arith.constant 0 : index
    %get3A_186 = vector.load %arg7[%get3A_183, %get3A_184, %get3A_185] : memref<512x16x72xbf16, #tpu.memory_space<vmem>>, vector<1x16x72xbf16>
    %get3A_187 = vector.shape_cast %get3A_186 : vector<1x16x72xbf16> to vector<16x72xbf16>
    %mul3A_188 = arith.mulf %convert_element_type3A_182, %get3A_187 : vector<16x72xbf16>
    %dot_general3A_189 = arith.constant dense<0.000000e+00> : vector<16x72xf32>
    %dot_general3A_190 = tpu.matmul %mul3A_188, %convert_element_type3A_89, %dot_general3A_189 {dimension_numbers = #tpu.dot_dimension_numbers<[1], [0], [0], [1], [0, 0, 1, 1], [], []>, transpose_lhs_hint = false} : vector<16x72xbf16>, vector<72x72xbf16>, vector<16x72xf32> -> vector<16x72xf32>
    %convert_element_type3A_191 = arith.truncf %dot_general3A_190 : vector<16x72xf32> to vector<16x72xbf16>
    %get3A_192 = arith.constant 509 : index
    %get3A_193 = arith.constant 0 : index
    %get3A_194 = arith.constant 0 : index
    %get3A_195 = vector.load %arg7[%get3A_192, %get3A_193, %get3A_194] : memref<512x16x72xbf16, #tpu.memory_space<vmem>>, vector<1x16x72xbf16>
    %get3A_196 = vector.shape_cast %get3A_195 : vector<1x16x72xbf16> to vector<16x72xbf16>
    %mul3A_197 = arith.mulf %convert_element_type3A_191, %get3A_196 : vector<16x72xbf16>
    %dot_general3A_198 = arith.constant dense<0.000000e+00> : vector<16x72xf32>
    %dot_general3A_199 = tpu.matmul %mul3A_197, %convert_element_type3A_89, %dot_general3A_198 {dimension_numbers = #tpu.dot_dimension_numbers<[1], [0], [0], [1], [0, 0, 1, 1], [], []>, transpose_lhs_hint = false} : vector<16x72xbf16>, vector<72x72xbf16>, vector<16x72xf32> -> vector<16x72xf32>
    %convert_element_type3A_200 = arith.truncf %dot_general3A_199 : vector<16x72xf32> to vector<16x72xbf16>
    %get3A_201 = arith.constant 508 : index
    %get3A_202 = arith.constant 0 : index
    %get3A_203 = arith.constant 0 : index
    %get3A_204 = vector.load %arg7[%get3A_201, %get3A_202, %get3A_203] : memref<512x16x72xbf16, #tpu.memory_space<vmem>>, vector<1x16x72xbf16>
    %get3A_205 = vector.shape_cast %get3A_204 : vector<1x16x72xbf16> to vector<16x72xbf16>
    %mul3A_206 = arith.mulf %convert_element_type3A_200, %get3A_205 : vector<16x72xbf16>
    %dot_general3A_207 = arith.constant dense<0.000000e+00> : vector<16x72xf32>
    %dot_general3A_208 = tpu.matmul %mul3A_206, %convert_element_type3A_89, %dot_general3A_207 {dimension_numbers = #tpu.dot_dimension_numbers<[1], [0], [0], [1], [0, 0, 1, 1], [], []>, transpose_lhs_hint = false} : vector<16x72xbf16>, vector<72x72xbf16>, vector<16x72xf32> -> vector<16x72xf32>
    %convert_element_type3A_209 = arith.truncf %dot_general3A_208 : vector<16x72xf32> to vector<16x72xbf16>
    %get3A_210 = arith.constant 507 : index
    %get3A_211 = arith.constant 0 : index
    %get3A_212 = arith.constant 0 : index
    %get3A_213 = vector.load %arg7[%get3A_210, %get3A_211, %get3A_212] : memref<512x16x72xbf16, #tpu.memory_space<vmem>>, vector<1x16x72xbf16>
    %get3A_214 = vector.shape_cast %get3A_213 : vector<1x16x72xbf16> to vector<16x72xbf16>
    %mul3A_215 = arith.mulf %convert_element_type3A_209, %get3A_214 : vector<16x72xbf16>
    %dot_general3A_216 = arith.constant dense<0.000000e+00> : vector<16x72xf32>
    %dot_general3A_217 = tpu.matmul %mul3A_215, %convert_element_type3A_89, %dot_general3A_216 {dimension_numbers = #tpu.dot_dimension_numbers<[1], [0], [0], [1], [0, 0, 1, 1], [], []>, transpose_lhs_hint = false} : vector<16x72xbf16>, vector<72x72xbf16>, vector<16x72xf32> -> vector<16x72xf32>
    %convert_element_type3A_218 = arith.truncf %dot_general3A_217 : vector<16x72xf32> to vector<16x72xbf16>
    %get3A_219 = arith.constant 506 : index
    %get3A_220 = arith.constant 0 : index
    %get3A_221 = arith.constant 0 : index
    %get3A_222 = vector.load %arg7[%get3A_219, %get3A_220, %get3A_221] : memref<512x16x72xbf16, #tpu.memory_space<vmem>>, vector<1x16x72xbf16>
    %get3A_223 = vector.shape_cast %get3A_222 : vector<1x16x72xbf16> to vector<16x72xbf16>
    %mul3A_224 = arith.mulf %convert_element_type3A_218, %get3A_223 : vector<16x72xbf16>
    %dot_general3A_225 = arith.constant dense<0.000000e+00> : vector<16x72xf32>
    %dot_general3A_226 = tpu.matmul %mul3A_224, %convert_element_type3A_89, %dot_general3A_225 {dimension_numbers = #tpu.dot_dimension_numbers<[1], [0], [0], [1], [0, 0, 1, 1], [], []>, transpose_lhs_hint = false} : vector<16x72xbf16>, vector<72x72xbf16>, vector<16x72xf32> -> vector<16x72xf32>
    %convert_element_type3A_227 = arith.truncf %dot_general3A_226 : vector<16x72xf32> to vector<16x72xbf16>
    %get3A_228 = arith.constant 505 : index
    %get3A_229 = arith.constant 0 : index
    %get3A_230 = arith.constant 0 : index
    %get3A_231 = vector.load %arg7[%get3A_228, %get3A_229, %get3A_230] : memref<512x16x72xbf16, #tpu.memory_space<vmem>>, vector<1x16x72xbf16>
    %get3A_232 = vector.shape_cast %get3A_231 : vector<1x16x72xbf16> to vector<16x72xbf16>
    %mul3A_233 = arith.mulf %convert_element_type3A_227, %get3A_232 : vector<16x72xbf16>
    %dot_general3A_234 = arith.constant dense<0.000000e+00> : vector<16x72xf32>
    %dot_general3A_235 = tpu.matmul %mul3A_233, %convert_element_type3A_89, %dot_general3A_234 {dimension_numbers = #tpu.dot_dimension_numbers<[1], [0], [0], [1], [0, 0, 1, 1], [], []>, transpose_lhs_hint = false} : vector<16x72xbf16>, vector<72x72xbf16>, vector<16x72xf32> -> vector<16x72xf32>
    %convert_element_type3A_236 = arith.truncf %dot_general3A_235 : vector<16x72xf32> to vector<16x72xbf16>
    %get3A_237 = arith.constant 504 : index
    %get3A_238 = arith.constant 0 : index
    %get3A_239 = arith.constant 0 : index
    %get3A_240 = vector.load %arg7[%get3A_237, %get3A_238, %get3A_239] : memref<512x16x72xbf16, #tpu.memory_space<vmem>>, vector<1x16x72xbf16>
    %get3A_241 = vector.shape_cast %get3A_240 : vector<1x16x72xbf16> to vector<16x72xbf16>
    %mul3A_242 = arith.mulf %convert_element_type3A_236, %get3A_241 : vector<16x72xbf16>
    %dot_general3A_243 = arith.constant dense<0.000000e+00> : vector<16x72xf32>
    %dot_general3A_244 = tpu.matmul %mul3A_242, %convert_element_type3A_89, %dot_general3A_243 {dimension_numbers = #tpu.dot_dimension_numbers<[1], [0], [0], [1], [0, 0, 1, 1], [], []>, transpose_lhs_hint = false} : vector<16x72xbf16>, vector<72x72xbf16>, vector<16x72xf32> -> vector<16x72xf32>
    %convert_element_type3A_245 = arith.truncf %dot_general3A_244 : vector<16x72xf32> to vector<16x72xbf16>
    %broadcast_in_dim3A_246 = arith.constant 0.000000e+00 : f32
    %broadcast_in_dim3A_247 = vector.broadcast %broadcast_in_dim3A_246 : f32 to vector<16x1xf32>
    %convert_element_type3A_248 = arith.extf %mul3A_173 : vector<16x72xbf16> to vector<16x72xf32>
    %reduce_max3A = arith.constant dense<0xFF800000> : vector<16xf32>
    %reduce_max3A_249 = vector.multi_reduction <maximumf>, %convert_element_type3A_248, %reduce_max3A [1] : vector<16x72xf32> to vector<16xf32>
    %broadcast_in_dim3A_250 = vector.shape_cast %reduce_max3A_249 : vector<16xf32> to vector<16x1xf32>
    %convert_element_type3A_251 = arith.extf %mul3A_173 : vector<16x72xbf16> to vector<16x72xf32>
    %div3A = vector.broadcast %broadcast_in_dim3A_250 : vector<16x1xf32> to vector<16x72xf32>
    %div3A_252 = arith.divf %convert_element_type3A_251, %div3A : vector<16x72xf32>
    %convert_element_type3A_253 = arith.truncf %div3A_252 : vector<16x72xf32> to vector<16x72xbf16>
    %log3A = math.log %broadcast_in_dim3A_250 : vector<16x1xf32>
    %add3A = arith.addf %broadcast_in_dim3A_247, %log3A : vector<16x1xf32>
    %convert_element_type3A_254 = arith.extf %convert_element_type3A_245 : vector<16x72xbf16> to vector<16x72xf32>
    %reduce_max3A_255 = arith.constant dense<0xFF800000> : vector<16xf32>
    %reduce_max3A_256 = vector.multi_reduction <maximumf>, %convert_element_type3A_254, %reduce_max3A_255 [1] : vector<16x72xf32> to vector<16xf32>
    %broadcast_in_dim3A_257 = vector.shape_cast %reduce_max3A_256 : vector<16xf32> to vector<16x1xf32>
    %convert_element_type3A_258 = arith.extf %convert_element_type3A_245 : vector<16x72xbf16> to vector<16x72xf32>
    %div3A_259 = vector.broadcast %broadcast_in_dim3A_257 : vector<16x1xf32> to vector<16x72xf32>
    %div3A_260 = arith.divf %convert_element_type3A_258, %div3A_259 : vector<16x72xf32>
    %convert_element_type3A_261 = arith.truncf %div3A_260 : vector<16x72xf32> to vector<16x72xbf16>
    %log3A_262 = math.log %broadcast_in_dim3A_257 : vector<16x1xf32>
    %add3A_263 = arith.addf %broadcast_in_dim3A_247, %log3A_262 : vector<16x1xf32>
    %scan3A = arith.constant 0 : i32
    %scan3A_264 = arith.constant 31 : i32
    %scan3A_265 = arith.addi %scan3A, %scan3A_264 : i32
    %scan3A_266 = arith.constant 1 : i32
    %scan3A_267:4 = scf.for %scan3A_280 = %scan3A to %scan3A_265 step %scan3A_266 iter_args(%scan3A_281 = %convert_element_type3A_253, %scan3A_282 = %convert_element_type3A_261, %scan3A_283 = %add3A, %scan3A_284 = %add3A_263) -> (vector<16x72xbf16>, vector<16x72xbf16>, vector<16x1xf32>, vector<16x1xf32>)  : i32 {
      %mul3A_285 = arith.constant 8 : i32
      %mul3A_286 = arith.muli %mul3A_285, %scan3A_280 : i32
      %add3A_287 = arith.constant 8 : i32
      %add3A_288 = arith.addi %add3A_287, %mul3A_286 : i32
      %add3A_289 = arith.constant 0 : i32
      %add3A_290 = arith.addi %add3A_288, %add3A_289 : i32
      %dot_general3A_291 = arith.constant dense<0.000000e+00> : vector<16x72xf32>
      %dot_general3A_292 = tpu.matmul %scan3A_281, %convert_element_type3A_56, %dot_general3A_291 {dimension_numbers = #tpu.dot_dimension_numbers<[1], [0], [0], [1], [0, 0, 1, 1], [], []>, transpose_lhs_hint = false} : vector<16x72xbf16>, vector<72x72xbf16>, vector<16x72xf32> -> vector<16x72xf32>
      %convert_element_type3A_293 = arith.truncf %dot_general3A_292 : vector<16x72xf32> to vector<16x72xbf16>
      %get3A_294 = arith.index_cast %add3A_290 : i32 to index
      %get3A_295 = arith.constant 0 : index
      %get3A_296 = arith.constant 0 : index
      %get3A_297 = vector.load %arg7[%get3A_294, %get3A_295, %get3A_296] : memref<512x16x72xbf16, #tpu.memory_space<vmem>>, vector<1x16x72xbf16>
      %get3A_298 = vector.shape_cast %get3A_297 : vector<1x16x72xbf16> to vector<16x72xbf16>
      %mul3A_299 = arith.mulf %convert_element_type3A_293, %get3A_298 : vector<16x72xbf16>
      %mul3A_300 = arith.constant 8 : i32
      %mul3A_301 = arith.muli %mul3A_300, %scan3A_280 : i32
      %sub3A = arith.constant 503 : i32
      %sub3A_302 = arith.subi %sub3A, %mul3A_301 : i32
      %sub3A_303 = arith.constant 0 : i32
      %sub3A_304 = arith.subi %sub3A_302, %sub3A_303 : i32
      %get3A_305 = arith.index_cast %sub3A_304 : i32 to index
      %get3A_306 = arith.constant 0 : index
      %get3A_307 = arith.constant 0 : index
      %get3A_308 = vector.load %arg7[%get3A_305, %get3A_306, %get3A_307] : memref<512x16x72xbf16, #tpu.memory_space<vmem>>, vector<1x16x72xbf16>
      %get3A_309 = vector.shape_cast %get3A_308 : vector<1x16x72xbf16> to vector<16x72xbf16>
      %mul3A_310 = arith.mulf %scan3A_282, %get3A_309 : vector<16x72xbf16>
      %dot_general3A_311 = arith.constant dense<0.000000e+00> : vector<16x72xf32>
      %dot_general3A_312 = tpu.matmul %mul3A_310, %convert_element_type3A_89, %dot_general3A_311 {dimension_numbers = #tpu.dot_dimension_numbers<[1], [0], [0], [1], [0, 0, 1, 1], [], []>, transpose_lhs_hint = false} : vector<16x72xbf16>, vector<72x72xbf16>, vector<16x72xf32> -> vector<16x72xf32>
      %convert_element_type3A_313 = arith.truncf %dot_general3A_312 : vector<16x72xf32> to vector<16x72xbf16>
      %mul3A_314 = arith.constant 8 : i32
      %mul3A_315 = arith.muli %mul3A_314, %scan3A_280 : i32
      %add3A_316 = arith.constant 8 : i32
      %add3A_317 = arith.addi %add3A_316, %mul3A_315 : i32
      %add3A_318 = arith.constant 1 : i32
      %add3A_319 = arith.addi %add3A_317, %add3A_318 : i32
      %dot_general3A_320 = arith.constant dense<0.000000e+00> : vector<16x72xf32>
      %dot_general3A_321 = tpu.matmul %mul3A_299, %convert_element_type3A_56, %dot_general3A_320 {dimension_numbers = #tpu.dot_dimension_numbers<[1], [0], [0], [1], [0, 0, 1, 1], [], []>, transpose_lhs_hint = false} : vector<16x72xbf16>, vector<72x72xbf16>, vector<16x72xf32> -> vector<16x72xf32>
      %convert_element_type3A_322 = arith.truncf %dot_general3A_321 : vector<16x72xf32> to vector<16x72xbf16>
      %get3A_323 = arith.index_cast %add3A_319 : i32 to index
      %get3A_324 = arith.constant 0 : index
      %get3A_325 = arith.constant 0 : index
      %get3A_326 = vector.load %arg7[%get3A_323, %get3A_324, %get3A_325] : memref<512x16x72xbf16, #tpu.memory_space<vmem>>, vector<1x16x72xbf16>
      %get3A_327 = vector.shape_cast %get3A_326 : vector<1x16x72xbf16> to vector<16x72xbf16>
      %mul3A_328 = arith.mulf %convert_element_type3A_322, %get3A_327 : vector<16x72xbf16>
      %mul3A_329 = arith.constant 8 : i32
      %mul3A_330 = arith.muli %mul3A_329, %scan3A_280 : i32
      %sub3A_331 = arith.constant 503 : i32
      %sub3A_332 = arith.subi %sub3A_331, %mul3A_330 : i32
      %sub3A_333 = arith.constant 1 : i32
      %sub3A_334 = arith.subi %sub3A_332, %sub3A_333 : i32
      %get3A_335 = arith.index_cast %sub3A_334 : i32 to index
      %get3A_336 = arith.constant 0 : index
      %get3A_337 = arith.constant 0 : index
      %get3A_338 = vector.load %arg7[%get3A_335, %get3A_336, %get3A_337] : memref<512x16x72xbf16, #tpu.memory_space<vmem>>, vector<1x16x72xbf16>
      %get3A_339 = vector.shape_cast %get3A_338 : vector<1x16x72xbf16> to vector<16x72xbf16>
      %mul3A_340 = arith.mulf %convert_element_type3A_313, %get3A_339 : vector<16x72xbf16>
      %dot_general3A_341 = arith.constant dense<0.000000e+00> : vector<16x72xf32>
      %dot_general3A_342 = tpu.matmul %mul3A_340, %convert_element_type3A_89, %dot_general3A_341 {dimension_numbers = #tpu.dot_dimension_numbers<[1], [0], [0], [1], [0, 0, 1, 1], [], []>, transpose_lhs_hint = false} : vector<16x72xbf16>, vector<72x72xbf16>, vector<16x72xf32> -> vector<16x72xf32>
      %convert_element_type3A_343 = arith.truncf %dot_general3A_342 : vector<16x72xf32> to vector<16x72xbf16>
      %mul3A_344 = arith.constant 8 : i32
      %mul3A_345 = arith.muli %mul3A_344, %scan3A_280 : i32
      %add3A_346 = arith.constant 8 : i32
      %add3A_347 = arith.addi %add3A_346, %mul3A_345 : i32
      %add3A_348 = arith.constant 2 : i32
      %add3A_349 = arith.addi %add3A_347, %add3A_348 : i32
      %dot_general3A_350 = arith.constant dense<0.000000e+00> : vector<16x72xf32>
      %dot_general3A_351 = tpu.matmul %mul3A_328, %convert_element_type3A_56, %dot_general3A_350 {dimension_numbers = #tpu.dot_dimension_numbers<[1], [0], [0], [1], [0, 0, 1, 1], [], []>, transpose_lhs_hint = false} : vector<16x72xbf16>, vector<72x72xbf16>, vector<16x72xf32> -> vector<16x72xf32>
      %convert_element_type3A_352 = arith.truncf %dot_general3A_351 : vector<16x72xf32> to vector<16x72xbf16>
      %get3A_353 = arith.index_cast %add3A_349 : i32 to index
      %get3A_354 = arith.constant 0 : index
      %get3A_355 = arith.constant 0 : index
      %get3A_356 = vector.load %arg7[%get3A_353, %get3A_354, %get3A_355] : memref<512x16x72xbf16, #tpu.memory_space<vmem>>, vector<1x16x72xbf16>
      %get3A_357 = vector.shape_cast %get3A_356 : vector<1x16x72xbf16> to vector<16x72xbf16>
      %mul3A_358 = arith.mulf %convert_element_type3A_352, %get3A_357 : vector<16x72xbf16>
      %mul3A_359 = arith.constant 8 : i32
      %mul3A_360 = arith.muli %mul3A_359, %scan3A_280 : i32
      %sub3A_361 = arith.constant 503 : i32
      %sub3A_362 = arith.subi %sub3A_361, %mul3A_360 : i32
      %sub3A_363 = arith.constant 2 : i32
      %sub3A_364 = arith.subi %sub3A_362, %sub3A_363 : i32
      %get3A_365 = arith.index_cast %sub3A_364 : i32 to index
      %get3A_366 = arith.constant 0 : index
      %get3A_367 = arith.constant 0 : index
      %get3A_368 = vector.load %arg7[%get3A_365, %get3A_366, %get3A_367] : memref<512x16x72xbf16, #tpu.memory_space<vmem>>, vector<1x16x72xbf16>
      %get3A_369 = vector.shape_cast %get3A_368 : vector<1x16x72xbf16> to vector<16x72xbf16>
      %mul3A_370 = arith.mulf %convert_element_type3A_343, %get3A_369 : vector<16x72xbf16>
      %dot_general3A_371 = arith.constant dense<0.000000e+00> : vector<16x72xf32>
      %dot_general3A_372 = tpu.matmul %mul3A_370, %convert_element_type3A_89, %dot_general3A_371 {dimension_numbers = #tpu.dot_dimension_numbers<[1], [0], [0], [1], [0, 0, 1, 1], [], []>, transpose_lhs_hint = false} : vector<16x72xbf16>, vector<72x72xbf16>, vector<16x72xf32> -> vector<16x72xf32>
      %convert_element_type3A_373 = arith.truncf %dot_general3A_372 : vector<16x72xf32> to vector<16x72xbf16>
      %mul3A_374 = arith.constant 8 : i32
      %mul3A_375 = arith.muli %mul3A_374, %scan3A_280 : i32
      %add3A_376 = arith.constant 8 : i32
      %add3A_377 = arith.addi %add3A_376, %mul3A_375 : i32
      %add3A_378 = arith.constant 3 : i32
      %add3A_379 = arith.addi %add3A_377, %add3A_378 : i32
      %dot_general3A_380 = arith.constant dense<0.000000e+00> : vector<16x72xf32>
      %dot_general3A_381 = tpu.matmul %mul3A_358, %convert_element_type3A_56, %dot_general3A_380 {dimension_numbers = #tpu.dot_dimension_numbers<[1], [0], [0], [1], [0, 0, 1, 1], [], []>, transpose_lhs_hint = false} : vector<16x72xbf16>, vector<72x72xbf16>, vector<16x72xf32> -> vector<16x72xf32>
      %convert_element_type3A_382 = arith.truncf %dot_general3A_381 : vector<16x72xf32> to vector<16x72xbf16>
      %get3A_383 = arith.index_cast %add3A_379 : i32 to index
      %get3A_384 = arith.constant 0 : index
      %get3A_385 = arith.constant 0 : index
      %get3A_386 = vector.load %arg7[%get3A_383, %get3A_384, %get3A_385] : memref<512x16x72xbf16, #tpu.memory_space<vmem>>, vector<1x16x72xbf16>
      %get3A_387 = vector.shape_cast %get3A_386 : vector<1x16x72xbf16> to vector<16x72xbf16>
      %mul3A_388 = arith.mulf %convert_element_type3A_382, %get3A_387 : vector<16x72xbf16>
      %mul3A_389 = arith.constant 8 : i32
      %mul3A_390 = arith.muli %mul3A_389, %scan3A_280 : i32
      %sub3A_391 = arith.constant 503 : i32
      %sub3A_392 = arith.subi %sub3A_391, %mul3A_390 : i32
      %sub3A_393 = arith.constant 3 : i32
      %sub3A_394 = arith.subi %sub3A_392, %sub3A_393 : i32
      %get3A_395 = arith.index_cast %sub3A_394 : i32 to index
      %get3A_396 = arith.constant 0 : index
      %get3A_397 = arith.constant 0 : index
      %get3A_398 = vector.load %arg7[%get3A_395, %get3A_396, %get3A_397] : memref<512x16x72xbf16, #tpu.memory_space<vmem>>, vector<1x16x72xbf16>
      %get3A_399 = vector.shape_cast %get3A_398 : vector<1x16x72xbf16> to vector<16x72xbf16>
      %mul3A_400 = arith.mulf %convert_element_type3A_373, %get3A_399 : vector<16x72xbf16>
      %dot_general3A_401 = arith.constant dense<0.000000e+00> : vector<16x72xf32>
      %dot_general3A_402 = tpu.matmul %mul3A_400, %convert_element_type3A_89, %dot_general3A_401 {dimension_numbers = #tpu.dot_dimension_numbers<[1], [0], [0], [1], [0, 0, 1, 1], [], []>, transpose_lhs_hint = false} : vector<16x72xbf16>, vector<72x72xbf16>, vector<16x72xf32> -> vector<16x72xf32>
      %convert_element_type3A_403 = arith.truncf %dot_general3A_402 : vector<16x72xf32> to vector<16x72xbf16>
      %mul3A_404 = arith.constant 8 : i32
      %mul3A_405 = arith.muli %mul3A_404, %scan3A_280 : i32
      %add3A_406 = arith.constant 8 : i32
      %add3A_407 = arith.addi %add3A_406, %mul3A_405 : i32
      %add3A_408 = arith.constant 4 : i32
      %add3A_409 = arith.addi %add3A_407, %add3A_408 : i32
      %dot_general3A_410 = arith.constant dense<0.000000e+00> : vector<16x72xf32>
      %dot_general3A_411 = tpu.matmul %mul3A_388, %convert_element_type3A_56, %dot_general3A_410 {dimension_numbers = #tpu.dot_dimension_numbers<[1], [0], [0], [1], [0, 0, 1, 1], [], []>, transpose_lhs_hint = false} : vector<16x72xbf16>, vector<72x72xbf16>, vector<16x72xf32> -> vector<16x72xf32>
      %convert_element_type3A_412 = arith.truncf %dot_general3A_411 : vector<16x72xf32> to vector<16x72xbf16>
      %get3A_413 = arith.index_cast %add3A_409 : i32 to index
      %get3A_414 = arith.constant 0 : index
      %get3A_415 = arith.constant 0 : index
      %get3A_416 = vector.load %arg7[%get3A_413, %get3A_414, %get3A_415] : memref<512x16x72xbf16, #tpu.memory_space<vmem>>, vector<1x16x72xbf16>
      %get3A_417 = vector.shape_cast %get3A_416 : vector<1x16x72xbf16> to vector<16x72xbf16>
      %mul3A_418 = arith.mulf %convert_element_type3A_412, %get3A_417 : vector<16x72xbf16>
      %mul3A_419 = arith.constant 8 : i32
      %mul3A_420 = arith.muli %mul3A_419, %scan3A_280 : i32
      %sub3A_421 = arith.constant 503 : i32
      %sub3A_422 = arith.subi %sub3A_421, %mul3A_420 : i32
      %sub3A_423 = arith.constant 4 : i32
      %sub3A_424 = arith.subi %sub3A_422, %sub3A_423 : i32
      %get3A_425 = arith.index_cast %sub3A_424 : i32 to index
      %get3A_426 = arith.constant 0 : index
      %get3A_427 = arith.constant 0 : index
      %get3A_428 = vector.load %arg7[%get3A_425, %get3A_426, %get3A_427] : memref<512x16x72xbf16, #tpu.memory_space<vmem>>, vector<1x16x72xbf16>
      %get3A_429 = vector.shape_cast %get3A_428 : vector<1x16x72xbf16> to vector<16x72xbf16>
      %mul3A_430 = arith.mulf %convert_element_type3A_403, %get3A_429 : vector<16x72xbf16>
      %dot_general3A_431 = arith.constant dense<0.000000e+00> : vector<16x72xf32>
      %dot_general3A_432 = tpu.matmul %mul3A_430, %convert_element_type3A_89, %dot_general3A_431 {dimension_numbers = #tpu.dot_dimension_numbers<[1], [0], [0], [1], [0, 0, 1, 1], [], []>, transpose_lhs_hint = false} : vector<16x72xbf16>, vector<72x72xbf16>, vector<16x72xf32> -> vector<16x72xf32>
      %convert_element_type3A_433 = arith.truncf %dot_general3A_432 : vector<16x72xf32> to vector<16x72xbf16>
      %mul3A_434 = arith.constant 8 : i32
      %mul3A_435 = arith.muli %mul3A_434, %scan3A_280 : i32
      %add3A_436 = arith.constant 8 : i32
      %add3A_437 = arith.addi %add3A_436, %mul3A_435 : i32
      %add3A_438 = arith.constant 5 : i32
      %add3A_439 = arith.addi %add3A_437, %add3A_438 : i32
      %dot_general3A_440 = arith.constant dense<0.000000e+00> : vector<16x72xf32>
      %dot_general3A_441 = tpu.matmul %mul3A_418, %convert_element_type3A_56, %dot_general3A_440 {dimension_numbers = #tpu.dot_dimension_numbers<[1], [0], [0], [1], [0, 0, 1, 1], [], []>, transpose_lhs_hint = false} : vector<16x72xbf16>, vector<72x72xbf16>, vector<16x72xf32> -> vector<16x72xf32>
      %convert_element_type3A_442 = arith.truncf %dot_general3A_441 : vector<16x72xf32> to vector<16x72xbf16>
      %get3A_443 = arith.index_cast %add3A_439 : i32 to index
      %get3A_444 = arith.constant 0 : index
      %get3A_445 = arith.constant 0 : index
      %get3A_446 = vector.load %arg7[%get3A_443, %get3A_444, %get3A_445] : memref<512x16x72xbf16, #tpu.memory_space<vmem>>, vector<1x16x72xbf16>
      %get3A_447 = vector.shape_cast %get3A_446 : vector<1x16x72xbf16> to vector<16x72xbf16>
      %mul3A_448 = arith.mulf %convert_element_type3A_442, %get3A_447 : vector<16x72xbf16>
      %mul3A_449 = arith.constant 8 : i32
      %mul3A_450 = arith.muli %mul3A_449, %scan3A_280 : i32
      %sub3A_451 = arith.constant 503 : i32
      %sub3A_452 = arith.subi %sub3A_451, %mul3A_450 : i32
      %sub3A_453 = arith.constant 5 : i32
      %sub3A_454 = arith.subi %sub3A_452, %sub3A_453 : i32
      %get3A_455 = arith.index_cast %sub3A_454 : i32 to index
      %get3A_456 = arith.constant 0 : index
      %get3A_457 = arith.constant 0 : index
      %get3A_458 = vector.load %arg7[%get3A_455, %get3A_456, %get3A_457] : memref<512x16x72xbf16, #tpu.memory_space<vmem>>, vector<1x16x72xbf16>
      %get3A_459 = vector.shape_cast %get3A_458 : vector<1x16x72xbf16> to vector<16x72xbf16>
      %mul3A_460 = arith.mulf %convert_element_type3A_433, %get3A_459 : vector<16x72xbf16>
      %dot_general3A_461 = arith.constant dense<0.000000e+00> : vector<16x72xf32>
      %dot_general3A_462 = tpu.matmul %mul3A_460, %convert_element_type3A_89, %dot_general3A_461 {dimension_numbers = #tpu.dot_dimension_numbers<[1], [0], [0], [1], [0, 0, 1, 1], [], []>, transpose_lhs_hint = false} : vector<16x72xbf16>, vector<72x72xbf16>, vector<16x72xf32> -> vector<16x72xf32>
      %convert_element_type3A_463 = arith.truncf %dot_general3A_462 : vector<16x72xf32> to vector<16x72xbf16>
      %mul3A_464 = arith.constant 8 : i32
      %mul3A_465 = arith.muli %mul3A_464, %scan3A_280 : i32
      %add3A_466 = arith.constant 8 : i32
      %add3A_467 = arith.addi %add3A_466, %mul3A_465 : i32
      %add3A_468 = arith.constant 6 : i32
      %add3A_469 = arith.addi %add3A_467, %add3A_468 : i32
      %dot_general3A_470 = arith.constant dense<0.000000e+00> : vector<16x72xf32>
      %dot_general3A_471 = tpu.matmul %mul3A_448, %convert_element_type3A_56, %dot_general3A_470 {dimension_numbers = #tpu.dot_dimension_numbers<[1], [0], [0], [1], [0, 0, 1, 1], [], []>, transpose_lhs_hint = false} : vector<16x72xbf16>, vector<72x72xbf16>, vector<16x72xf32> -> vector<16x72xf32>
      %convert_element_type3A_472 = arith.truncf %dot_general3A_471 : vector<16x72xf32> to vector<16x72xbf16>
      %get3A_473 = arith.index_cast %add3A_469 : i32 to index
      %get3A_474 = arith.constant 0 : index
      %get3A_475 = arith.constant 0 : index
      %get3A_476 = vector.load %arg7[%get3A_473, %get3A_474, %get3A_475] : memref<512x16x72xbf16, #tpu.memory_space<vmem>>, vector<1x16x72xbf16>
      %get3A_477 = vector.shape_cast %get3A_476 : vector<1x16x72xbf16> to vector<16x72xbf16>
      %mul3A_478 = arith.mulf %convert_element_type3A_472, %get3A_477 : vector<16x72xbf16>
      %mul3A_479 = arith.constant 8 : i32
      %mul3A_480 = arith.muli %mul3A_479, %scan3A_280 : i32
      %sub3A_481 = arith.constant 503 : i32
      %sub3A_482 = arith.subi %sub3A_481, %mul3A_480 : i32
      %sub3A_483 = arith.constant 6 : i32
      %sub3A_484 = arith.subi %sub3A_482, %sub3A_483 : i32
      %get3A_485 = arith.index_cast %sub3A_484 : i32 to index
      %get3A_486 = arith.constant 0 : index
      %get3A_487 = arith.constant 0 : index
      %get3A_488 = vector.load %arg7[%get3A_485, %get3A_486, %get3A_487] : memref<512x16x72xbf16, #tpu.memory_space<vmem>>, vector<1x16x72xbf16>
      %get3A_489 = vector.shape_cast %get3A_488 : vector<1x16x72xbf16> to vector<16x72xbf16>
      %mul3A_490 = arith.mulf %convert_element_type3A_463, %get3A_489 : vector<16x72xbf16>
      %dot_general3A_491 = arith.constant dense<0.000000e+00> : vector<16x72xf32>
      %dot_general3A_492 = tpu.matmul %mul3A_490, %convert_element_type3A_89, %dot_general3A_491 {dimension_numbers = #tpu.dot_dimension_numbers<[1], [0], [0], [1], [0, 0, 1, 1], [], []>, transpose_lhs_hint = false} : vector<16x72xbf16>, vector<72x72xbf16>, vector<16x72xf32> -> vector<16x72xf32>
      %convert_element_type3A_493 = arith.truncf %dot_general3A_492 : vector<16x72xf32> to vector<16x72xbf16>
      %mul3A_494 = arith.constant 8 : i32
      %mul3A_495 = arith.muli %mul3A_494, %scan3A_280 : i32
      %add3A_496 = arith.constant 8 : i32
      %add3A_497 = arith.addi %add3A_496, %mul3A_495 : i32
      %add3A_498 = arith.constant 7 : i32
      %add3A_499 = arith.addi %add3A_497, %add3A_498 : i32
      %dot_general3A_500 = arith.constant dense<0.000000e+00> : vector<16x72xf32>
      %dot_general3A_501 = tpu.matmul %mul3A_478, %convert_element_type3A_56, %dot_general3A_500 {dimension_numbers = #tpu.dot_dimension_numbers<[1], [0], [0], [1], [0, 0, 1, 1], [], []>, transpose_lhs_hint = false} : vector<16x72xbf16>, vector<72x72xbf16>, vector<16x72xf32> -> vector<16x72xf32>
      %convert_element_type3A_502 = arith.truncf %dot_general3A_501 : vector<16x72xf32> to vector<16x72xbf16>
      %get3A_503 = arith.index_cast %add3A_499 : i32 to index
      %get3A_504 = arith.constant 0 : index
      %get3A_505 = arith.constant 0 : index
      %get3A_506 = vector.load %arg7[%get3A_503, %get3A_504, %get3A_505] : memref<512x16x72xbf16, #tpu.memory_space<vmem>>, vector<1x16x72xbf16>
      %get3A_507 = vector.shape_cast %get3A_506 : vector<1x16x72xbf16> to vector<16x72xbf16>
      %mul3A_508 = arith.mulf %convert_element_type3A_502, %get3A_507 : vector<16x72xbf16>
      %mul3A_509 = arith.constant 8 : i32
      %mul3A_510 = arith.muli %mul3A_509, %scan3A_280 : i32
      %sub3A_511 = arith.constant 503 : i32
      %sub3A_512 = arith.subi %sub3A_511, %mul3A_510 : i32
      %sub3A_513 = arith.constant 7 : i32
      %sub3A_514 = arith.subi %sub3A_512, %sub3A_513 : i32
      %get3A_515 = arith.index_cast %sub3A_514 : i32 to index
      %get3A_516 = arith.constant 0 : index
      %get3A_517 = arith.constant 0 : index
      %get3A_518 = vector.load %arg7[%get3A_515, %get3A_516, %get3A_517] : memref<512x16x72xbf16, #tpu.memory_space<vmem>>, vector<1x16x72xbf16>
      %get3A_519 = vector.shape_cast %get3A_518 : vector<1x16x72xbf16> to vector<16x72xbf16>
      %mul3A_520 = arith.mulf %convert_element_type3A_493, %get3A_519 : vector<16x72xbf16>
      %dot_general3A_521 = arith.constant dense<0.000000e+00> : vector<16x72xf32>
      %dot_general3A_522 = tpu.matmul %mul3A_520, %convert_element_type3A_89, %dot_general3A_521 {dimension_numbers = #tpu.dot_dimension_numbers<[1], [0], [0], [1], [0, 0, 1, 1], [], []>, transpose_lhs_hint = false} : vector<16x72xbf16>, vector<72x72xbf16>, vector<16x72xf32> -> vector<16x72xf32>
      %convert_element_type3A_523 = arith.truncf %dot_general3A_522 : vector<16x72xf32> to vector<16x72xbf16>
      %convert_element_type3A_524 = arith.extf %mul3A_508 : vector<16x72xbf16> to vector<16x72xf32>
      %reduce_max3A_525 = arith.constant dense<0xFF800000> : vector<16xf32>
      %reduce_max3A_526 = vector.multi_reduction <maximumf>, %convert_element_type3A_524, %reduce_max3A_525 [1] : vector<16x72xf32> to vector<16xf32>
      %broadcast_in_dim3A_527 = vector.shape_cast %reduce_max3A_526 : vector<16xf32> to vector<16x1xf32>
      %convert_element_type3A_528 = arith.extf %mul3A_508 : vector<16x72xbf16> to vector<16x72xf32>
      %div3A_529 = vector.broadcast %broadcast_in_dim3A_527 : vector<16x1xf32> to vector<16x72xf32>
      %div3A_530 = arith.divf %convert_element_type3A_528, %div3A_529 : vector<16x72xf32>
      %convert_element_type3A_531 = arith.truncf %div3A_530 : vector<16x72xf32> to vector<16x72xbf16>
      %log3A_532 = math.log %broadcast_in_dim3A_527 : vector<16x1xf32>
      %add3A_533 = arith.addf %scan3A_283, %log3A_532 : vector<16x1xf32>
      %convert_element_type3A_534 = arith.extf %convert_element_type3A_523 : vector<16x72xbf16> to vector<16x72xf32>
      %reduce_max3A_535 = arith.constant dense<0xFF800000> : vector<16xf32>
      %reduce_max3A_536 = vector.multi_reduction <maximumf>, %convert_element_type3A_534, %reduce_max3A_535 [1] : vector<16x72xf32> to vector<16xf32>
      %broadcast_in_dim3A_537 = vector.shape_cast %reduce_max3A_536 : vector<16xf32> to vector<16x1xf32>
      %convert_element_type3A_538 = arith.extf %convert_element_type3A_523 : vector<16x72xbf16> to vector<16x72xf32>
      %div3A_539 = vector.broadcast %broadcast_in_dim3A_537 : vector<16x1xf32> to vector<16x72xf32>
      %div3A_540 = arith.divf %convert_element_type3A_538, %div3A_539 : vector<16x72xf32>
      %convert_element_type3A_541 = arith.truncf %div3A_540 : vector<16x72xf32> to vector<16x72xbf16>
      %log3A_542 = math.log %broadcast_in_dim3A_537 : vector<16x1xf32>
      %add3A_543 = arith.addf %scan3A_284, %log3A_542 : vector<16x1xf32>
      scf.yield %convert_element_type3A_531, %convert_element_type3A_541, %add3A_533, %add3A_543 : vector<16x72xbf16>, vector<16x72xbf16>, vector<16x1xf32>, vector<16x1xf32>
    }
    %scan3A_268 = arith.constant 31 : i32
    %convert_element_type3A_269 = arith.extf %scan3A_267#0 : vector<16x72xbf16> to vector<16x72xf32>
    %convert_element_type3A_270 = arith.extf %scan3A_267#1 : vector<16x72xbf16> to vector<16x72xf32>
    %mul3A_271 = arith.mulf %convert_element_type3A_269, %convert_element_type3A_270 : vector<16x72xf32>
    %reduce_sum3A = arith.constant dense<0.000000e+00> : vector<16xf32>
    %reduce_sum3A_272 = vector.multi_reduction <add>, %mul3A_271, %reduce_sum3A [1] : vector<16x72xf32> to vector<16xf32>
    %broadcast_in_dim3A_273 = vector.shape_cast %reduce_sum3A_272 : vector<16xf32> to vector<16x1xf32>
    %add3A_274 = arith.addf %scan3A_267#2, %scan3A_267#3 : vector<16x1xf32>
    %log3A_275 = math.log %broadcast_in_dim3A_273 : vector<16x1xf32>
    %add3A_276 = arith.addf %add3A_274, %log3A_275 : vector<16x1xf32>
    %swap3A_277 = arith.constant 0 : index
    %swap3A_278 = arith.constant 0 : index
    %swap3A_279 = vector.load %arg6[%swap3A_277, %swap3A_278] : memref<16x1xf32, #tpu.memory_space<vmem>>, vector<16x1xf32>
    tpu.vector_store %arg6[%swap3A_277, %swap3A_278], %add3A_276 {strides = array<i32>} : memref<16x1xf32, #tpu.memory_space<vmem>>, vector<16x1xf32>,
    return
  }
}

</mosaic_0001>

<sc_bundles>
// kernel: kernel.4.cloned.1.call-start
scs
__scs_entry_jumppad:
0x0: {  	(pc) =	sbr.rel $0x88, $3  }
0x1: {  	(tag) =	ssettag $0x0;
	lr =	simm.s32 $0x1  }
0x2: {  	[smem:$0x3F9B] =	sst lr;
	_ =	strace $0xD0000000  }
0x3: {  	_ = 	snop  }
0x4: {  	_ = 	snop  }
0x5: {  	_ = 	snop  }
0x6: {  	_ = 	snop  }
0x7: {  	_ = 	snop  }
__scs_overlays_trampoline_lowered:
0x8: {  	[smem:$0x3FAA] =	sst s0  }
0x9: {  	[smem:$0x3FAB] =	sst s1  }
0xa: {  	[smem:$0x3FAC] =	sst s2  }
0xb: {  	[smem:$0x3FAD] =	sst s3  }
0xc: {  	[smem:$0x3FAE] =	sst s4  }
0xd: {  	[smem:$0x3FAF] =	sst s5  }
0xe: {  	[smem:$0x3FB0] =	sst s6  }
0xf: {  	[smem:$0x3FB1] =	sst s7  }
0x10: {  	[smem:$0x3FB2] =	sst s8  }
0x11: {  	[smem:$0x3FB3] =	sst s9;
	s0 =	simm.s32 @!p0 $0x0  }
0x12: {  	s1 =	sld [smem:$0x3F99];
	s0 =	simm.s32 @p0 $0x1  }
0x13: {  	[smem:$0x3FB4] =	sst s0;
	s0 =	simm.s32 @!p1 $0x0  }
0x14: {  	s2 =	sld [smem:$0x3F98];
	s0 =	simm.s32 @p1 $0x1  }
0x15: {  	[smem:$0x3FB5] =	sst s0;
	s0 =	simm.s32 @!p2 $0x0  }
0x16: {  	s3 =	sld [smem:$0x3FDB];
	s0 =	simm.s32 @p2 $0x1  }
0x17: {  	s4 =	simm.s32 $0x1BF5;
	[smem:$0x3FB7] =	sst s0  }
0x18: {  	s0 =	sld [smem:$0x3F9A];
	_ =	swait.ge [sflag:s4], $0x0  }
0x19: {  	s7 =	sld [smem:$0x3F9B]  }
0x1a: {  	s8 =	sadd.s32 $0xFFFFE003, lr  }
0x1b: {  	s9 =	sadd.s32 $0xFFFFFEF7, lr;
	s5 =	simm.s32 $0xFFFFFFFF;
	p2 =	slt.u32 s8, $0xFFFFF086  }
0x1c: {  	p1 =	slt.u32 s9, $0xF7A;
	s5 =	simm.s32 @!p2 $0x0  }
0x1d: {  	s5 =	simm.s32 @p1 $0x1;
	p0 =	seq.s32 s7, s2  }
0x1e: {  	s7 =	smul.u32 @!p0 $0xF7A, s2;
	p2 =	seq.s32 @!p0 s5, $0x0  }
0x1f: {  	s9 =	smul.u32 $0xF7A, s1;
	s8 =	simm.s32 @!p0 $0x1BF5;
	p2 =	por !p2, p0  }
0x20: {  	[sflag:s8] =	ssyncset.s32 @!p0 $0xFFFFF086;
	s6 =	sadd.s32 @!p0 s3, s7;
	s7 =	simm.s32 @!p0 $0x108  }
0x21: {  	s3 =	sadd.s32 s3, s9;
	s6 =	sadd.s32 @!p0 $0x88, s6;
	s7 =	simm.s32 @p2 $0x1082  }
0x22: {  	[simem:s7], [sflag:s8] =	dma.local @!p0 [hbm:s6], $0xF7A  }
0x23: {  	s9 =	sor.u32 $0xD0000000, s2;
	s6 =	simm.s32 $0x108;
	_ =	swait.ge @!p0 [sflag:s8], $0x0  }
0x24: {  	s3 =	sadd.s32 $0x88, s3;
	s6 =	simm.s32 @!p1 $0x1082;
	[sflag:s4] =	ssyncset.s32 $0xFFFFF086  }
0x25: {  	[simem:s6], [sflag:s4] =	dma.local [hbm:s3], $0xF7A  }
0x26: {  	[smem:$0x3F9B] =	sst s1;
	(tag) =	ssettag s2;
	_ =	strace s9  }
0x27: {  	s1 =	sld [smem:$0x3FAB]  }
0x28: {  	s2 =	sld [smem:$0x3FAC]  }
0x29: {  	s4 =	sld [smem:$0x3FAE]  }
0x2a: {  	p0 =	seq.s32 s5, $0x0;
	s5 =	sld [smem:$0x3FAF]  }
0x2b: {  	s6 =	sld [smem:$0x3FB0]  }
0x2c: {  	s7 =	sld [smem:$0x3FB1]  }
0x2d: {  	s3 =	simm.s32 $0x108;
	s8 =	sld [smem:$0x3FB2]  }
0x2e: {  	s3 =	simm.s32 @!p0 $0x1082;
	s9 =	sld [smem:$0x3FB3]  }
0x2f: {  	lr =	sadd.s32 s0, s3;
	s0 =	sld [smem:$0x3FAA]  }
0x30: {  	s3 =	sld [smem:$0x3FAD]  }
0x31: {  	[smem:$0x3FB6] =	sst s10  }
0x32: {  	s10 =	sld [smem:$0x3FB4];
	_ =	sdelay $0x3  }
0x33: {  	p0 =	seq.s32 s10, $0x1;
	s10 =	sld [smem:$0x3FB6];
	_ =	sdelay $0x3  }
0x34: {  	[smem:$0x3FB6] =	sst s10  }
0x35: {  	s10 =	sld [smem:$0x3FB5];
	_ =	sdelay $0x3  }
0x36: {  	p1 =	seq.s32 s10, $0x1;
	s10 =	sld [smem:$0x3FB6];
	_ =	sdelay $0x3  }
0x37: {  	[smem:$0x3FB6] =	sst s10  }
0x38: {  	s10 =	sld [smem:$0x3FB7]  }
0x39: {  	_ = 	snop;
	(pc) =	sbr.ind lr, $3  }
0x3a: {  	_ = 	snop  }
0x3b: {  	_ = 	snop  }
0x3c: {  	p2 =	seq.s32 s10, $0x1;
	s10 =	sld [smem:$0x3FB6]  }
0x3d: {  	_ =	shalt  }
0x3e: {  	_ =	shalt  }
0x3f: {  	_ =	shalt  }
0x40: {  	_ =	shalt  }
0x41: {  	_ =	shalt  }
0x42: {  	_ =	shalt  }
0x43: {  	_ =	shalt  }
0x44: {  	_ =	shalt  }
0x45: {  	_ =	shalt  }
0x46: {  	_ =	shalt  }
0x47: {  	_ =	shalt  }
0x48: {  	_ =	shalt  }
0x49: {  	_ =	shalt  }
0x4a: {  	_ =	shalt  }
0x4b: {  	_ =	shalt  }
0x4c: {  	_ =	shalt  }
0x4d: {  	_ =	shalt  }
0x4e: {  	_ =	shalt  }
0x4f: {  	_ =	shalt  }
0x50: {  	_ =	shalt  }
0x51: {  	_ =	shalt  }
0x52: {  	_ =	shalt  }
0x53: {  	_ =	shalt  }
0x54: {  	_ =	shalt  }
0x55: {  	_ =	shalt  }
0x56: {  	_ =	shalt  }
0x57: {  	_ =	shalt  }
0x58: {  	_ =	shalt  }
0x59: {  	_ =	shalt  }
0x5a: {  	_ =	shalt  }
0x5b: {  	_ =	shalt  }
0x5c: {  	_ =	shalt  }
0x5d: {  	_ =	shalt  }
0x5e: {  	_ =	shalt  }
0x5f: {  	_ =	shalt  }
0x60: {  	_ =	shalt  }
0x61: {  	_ =	shalt  }
0x62: {  	_ =	shalt  }
0x63: {  	_ =	shalt  }
0x64: {  	_ =	shalt  }
0x65: {  	_ =	shalt  }
0x66: {  	_ =	shalt  }
0x67: {  	_ =	shalt  }
0x68: {  	_ =	shalt  }
0x69: {  	_ =	shalt  }
0x6a: {  	_ =	shalt  }
0x6b: {  	_ =	shalt  }
0x6c: {  	_ =	shalt  }
0x6d: {  	_ =	shalt  }
0x6e: {  	_ =	shalt  }
0x6f: {  	_ =	shalt  }
0x70: {  	_ =	shalt  }
0x71: {  	_ =	shalt  }
0x72: {  	_ =	shalt  }
0x73: {  	_ =	shalt  }
0x74: {  	_ =	shalt  }
0x75: {  	_ =	shalt  }
0x76: {  	_ =	shalt  }
0x77: {  	_ =	shalt  }
0x78: {  	_ =	shalt  }
0x79: {  	_ =	shalt  }
0x7a: {  	_ =	shalt  }
0x7b: {  	_ =	shalt  }
0x7c: {  	_ =	shalt  }
0x7d: {  	_ =	shalt  }
0x7e: {  	_ =	shalt  }
0x7f: {  	_ =	shalt  }
0x80: {  	_ =	shalt  }
0x81: {  	_ =	shalt  }
0x82: {  	_ =	shalt  }
0x83: {  	_ =	shalt  }
0x84: {  	_ =	shalt  }
0x85: {  	_ =	shalt  }
0x86: {  	_ =	shalt  }
0x87: {  	_ =	shalt  }
.Lfunc_end0:
.L_simem_size_0:
called_computation_lowered:
.L_overlay_start_0:
0x88: {  	s2 =	sld [smem:$0x3FD9]  }
0x89: {  	s3 =	sld [smem:$0x3FFE];
	_ =	sdelay $0x1  }
0x8a: {  	s1 =	srdreg.scid  }
0x8b: {  	s0 =	sand.u32 $0x1, s1  }
0x8c: {  	s17 =	sshll.u32 s0, $0xA;
	s2 =	sadd.s32 s3, s2  }
0x8d: {  	s2 =	sadd.s32 s2, s17  }
0x8e: {  	[smem:$0x3FC2] =	sst s2  }
0x8f: {  	_ = 	snop  }
0x90: {  	s2 =	sld [smem:$0x3FC5]  }
0x91: {  	s18 =	sld [smem:$0x3FC4]  }
0x92: {  	s4 =	sld [smem:$0x3FD0];
	(tm) =	ssettm $0x1  }
0x93: {  	s5 =	sld [smem:$0x3FFB];
	_ =	sdelay $0x3  }
0x94: {  	_ =	strace s5  }
0x95: {  	s5 =	sld [smem:$0x3FFC];
	_ =	sdelay $0x3  }
0x96: {  	_ =	strace s5  }
0x97: {  	s5 =	sld [smem:$0x3FFD];
	_ =	sdelay $0x3  }
0x98: {  	_ =	strace s5  }
0x99: {  	_ =	strace $0x8FFFFFFF  }
0x9a: {  	s19 =	sld [smem:$0x3FDB];
	_ =	sdelay $0x1  }
0x9b: {  	s6 =	simm.s32 $_scs_section_size  }
0x9c: {  	s7 =	simm.s32 $_size__tile_overlayer_lowered;
	s8 =	simm.s32 $_tile_overlayer_lowered  }
0x9d: {  	s22 =	simm.s32 $0x1BFF;
	s21 =	sshll.u32 s8, $0x1;
	s5 =	sadd.s32 s6, s19  }
0x9e: {  	s9 =	simm.s32 $0x0;
	s20 =	sshll.u32 s7, $0x1;
	s7 =	sadd.s32 s21, s5  }
0x9f: {  	[timem:s9], [sflag:s22] =	dma.local [hbm:s7], s20  }
0xa0: {  	_ =	swait.ge [sflag:s22], s20  }
0xa1: {  	s6 =	ssub.s32 $0x0, s20;
	[sflag:s22] =	ssyncset.done $0x0  }
0xa2: {  	[sflag:s22] =	ssyncadd.s32 s6;
	_ =	sdelay $0x1  }
0xa3: {  	s23 =	simm.s32 $0x1B8B  }
0xa4: {  	_ =	swait.ge [sflag:s23], $0x1  }
0xa5: {  	[sflag:s23] =	ssyncset.done $0x0  }
0xa6: {  	s25 =	simm.s32 $0x1B8E;
	s24 =	sld [smem:$0x3FFE];
	[sflag:s23] =	ssyncadd.s32 $0xFFFFFFFF  }
0xa7: {  	s26 =	simm.s32 $execute0_lowered;
	[smem:$0x3FD2] =	sst s25  }
0xa8: {  	s7 =	sshll.u32 s26, $0x1;
	_ =	strace $0x80000046;
	[dreg:$0x1] =	wrdreg $0xFFFFFFFF  }
0xa9: {  	s28 =	simm.s32 $_size_execute0_lowered;
	s5 =	sadd.s32 s5, s7;
	[dreg:$0x0] =	wrdreg $0x0  }
0xaa: {  	s7 =	sshll.u32 s28, $0x1;
	[dreg:$0x2] =	wrdreg s5  }
0xab: {  	[dreg:$0x3] =	wrdreg s7  }
0xac: {  	[dreg:$0x4] =	wrdreg $0xC0  }
0xad: {  	_ =	task [dreg:s9], $0x5FFFF  }
0xae: {  	[dreg:$0x1] =	wrdreg $0xFFFFFFFF  }
0xaf: {  	[dreg:$0x0] =	wrdreg $0x60  }
0xb0: {  	[dreg:$0x2] =	wrdreg s24  }
0xb1: {  	[dreg:$0x3] =	wrdreg s4  }
0xb2: {  	[dreg:$0x4] =	wrdreg s2  }
0xb3: {  	[dreg:$0x5] =	wrdreg s18  }
0xb4: {  	[dreg:$0x6] =	wrdreg $0x9  }
0xb5: {  	_ =	task.clear_ibuf [dreg:s9], $0x7FFFF;
	_ =	strace $0x90000046  }
0xb6: {  	s29 =	simm.s32 $0x9;
	_ =	strace $0x80000048  }
0xb7: {  	_ =	swait.ge [sflag:s29], $0x1  }
0xb8: {  	[sflag:s29] =	ssyncadd.s32 $0xFFFFFFFF  }
0xb9: {  	_ =	strace $0x90000048  }
0xba: {  	_ =	sfence  }
0xbb: {  	s30 =	sld [smem:$0x0];
	_ =	sdelay $0x2  }
0xbc: {  	s31 =	sshll.u32 s1, $0xD;
	s1 =	sshrl.u32 s1, $0x2  }
0xbd: {  	s3 =	sand.u32 $0x4000, s31;
	s1 =	sadd.s32 s1, s30  }
0xbe: {  	s0 =	sor.u32 s3, s0;
	s1 =	sshll.u32 s1, $0x11  }
0xbf: {  	s0 =	sor.u32 s1, s0  }
0xc0: {  	s0 =	sadd.s32 $0x8F2B, s0  }
0xc1: {  	[sflag:s0] =	ssyncadd.remote.s32 $0x1  }
0xc2: {  	_ =	sfence.sel $0xFFFF  }
0xc3: {  	[dreg:$0x0] =	wrdreg $0xFFFFFFFF;
	(pc) =	sbr.abs _section_cstart, $3  }
0xc4: {  	[dreg:$0x1] =	wrdreg $0xFFFFFFFF  }
0xc5: {  	_ =	task.clear_ibuf [dreg:s9], $0x2FFFF;
	_ =	strace $0x9FFFFFFF  }
0xc6: {  	(tm) =	ssettm $0x7FFFFFFF  }
0xc7: {  	_ =	shalt  }
tec
execute0_lowered:
.L_overlay_start_1:
0x0: {  	(tag) =	ssettag $0x1  }
0x1: {  	v48 =	vlaneseq.u32  }
0x2: {  	v13 =	vmul.u32 $0x40, v48;
	v17 =	vadd.s32 $0x1, v48  }
0x3: {  	v18 =	vor.u32 $0x10, v48;
	v19 =	vadd.s32 $0x11, v48;
	v20 =	vor.u32 $0x20, v48  }
0x4: {  	v21 =	vadd.s32 $0x21, v48;
	v22 =	vor.u32 $0x30, v48;
	v23 =	vadd.s32 $0x31, v48  }
0x5: {  	v24 =	vor.u32 $0x40, v48;
	v25 =	vadd.s32 $0x41, v48;
	v26 =	vor.u32 $0x50, v48  }
0x6: {  	v27 =	vadd.s32 $0x51, v48;
	v28 =	vor.u32 $0x60, v48;
	v29 =	vadd.s32 $0x61, v48  }
0x7: {  	v30 =	vor.u32 $0x70, v48;
	v31 =	vadd.s32 $0x71, v48;
	v32 =	vor.u32 $0x80, v48  }
0x8: {  	v33 =	vadd.s32 $0x81, v48;
	v34 =	vor.u32 $0x90, v48;
	v35 =	vadd.s32 $0x91, v48  }
0x9: {  	v36 =	vor.u32 $0xA0, v48;
	v37 =	vadd.s32 $0xA1, v48;
	v38 =	vor.u32 $0xB0, v48  }
0xa: {  	v39 =	vadd.s32 $0xB1, v48;
	v40 =	vor.u32 $0xC0, v48;
	v41 =	vadd.s32 $0xC1, v48  }
0xb: {  	v42 =	vor.u32 $0xD0, v48;
	v43 =	vadd.s32 $0xD1, v48;
	v44 =	vor.u32 $0xE0, v48  }
0xc: {  	v45 =	vadd.s32 $0xE1, v48;
	v49 =	vmul.u32 $0xFFFFFFFF, v48;
	v47 =	vor.u32 $0xF0, v48  }
0xd: {  	v46 =	vmul.u32 $0x200, v48;
	v1 =	vor.u32 $0x400, v13;
	v2 =	vor.u32 $0x800, v13  }
0xe: {  	v3 =	vor.u32 $0xC00, v13;
	v4 =	vor.u32 $0x1000, v13;
	v5 =	vor.u32 $0x1400, v13  }
0xf: {  	s1 =	srdreg.scid;
	s14 =	rddreg [dreg:$0x0];
	v6 =	vor.u32 $0x1800, v13;
	v7 =	vor.u32 $0x1C00, v13;
	v8 =	vor.u32 $0x2000, v13  }
0x10: {  	s2 =	rddreg [dreg:$0x2];
	s9 =	sand.u32 $0x1, s1;
	v9 =	vor.u32 $0x2400, v13;
	v10 =	vor.u32 $0x2800, v13;
	v11 =	vor.u32 $0x2C00, v13  }
0x11: {  	s0 =	stileid.u32;
	s4 =	rddreg [dreg:$0x3];
	s28 =	sshll.u32 s9, $0x8;
	v12 =	vor.u32 $0x3000, v13;
	v14 =	vor.u32 $0x3400, v13;
	v15 =	vor.u32 $0x3800, v13  }
0x12: {  	s3 =	rddreg [dreg:$0x4];
	s5 =	simm.s32 $0x0;
	s26 =	sshll.u32 s0, $0x1;
	v16 =	vor.u32 $0x3C00, v13;
	v50 =	vmov s28;
	v17 =	vor.u32 s28, v17  }
0x13: {  	s17 =	simm.s32 $0x100;
	s18 =	simm.s32 $0x200;
	s24 =	sor.u32 s9, s26;
	v18 =	vor.u32 s28, v18;
	v19 =	vor.u32 s28, v19;
	v20 =	vor.u32 s28, v20  }
0x14: {  	s19 =	simm.s32 $0x280;
	p1 =	seq.s32 s9, $0x1;
	p0 =	seq.s32 s24, $0x0;
	v21 =	vor.u32 s28, v21;
	v22 =	vor.u32 s28, v22;
	v23 =	vor.u32 s28, v23  }
0x15: {  	s20 =	simm.s32 $0x480;
	s21 =	simm.s32 $0x380;
	v24 =	vor.u32 s28, v24;
	v25 =	vor.u32 s28, v25;
	v26 =	vor.u32 s28, v26;
	p0 =	por !p0, !p1  }
0x16: {  	s22 =	simm.s32 $0x580;
	s1 =	simm.s32 $0x1;
	v27 =	vor.u32 s28, v27;
	v28 =	vor.u32 s28, v28;
	v29 =	vor.u32 s28, v29;
	p0 =	por !p0, !p0  }
0x17: {  	s23 =	simm.s32 $0x880;
	s25 =	simm.s32 $0x10;
	v30 =	vor.u32 s28, v30;
	v31 =	vor.u32 s28, v31;
	v32 =	vor.u32 s28, v32;
	s1 =	simm.s32 @!p0 $0x0  }
0x18: {  	s29 =	simm.s32 $0x800;
	s30 =	simm.s32 $0x680;
	v33 =	vor.u32 s28, v33;
	v34 =	vor.u32 s28, v34;
	v35 =	vor.u32 s28, v35;
	s8 =	ssub.s32 s0, s1  }
0x19: {  	[smem:$0x7FF] =	sst s5;
	s6 =	sadd.s32 $0x200, s14;
	v36 =	vor.u32 s28, v36;
	v37 =	vor.u32 s28, v37;
	v38 =	vor.u32 s28, v38;
	s1 =	sshll.u32 s8, $0x9  }
0x1a: {  	s7 =	sadd.s32 $0x10200, s14;
	s31 =	ssub.s32 $0x2, s9;
	v39 =	vor.u32 s28, v39;
	v40 =	vor.u32 s28, v40;
	v41 =	vor.u32 s28, v41;
	s10 =	sor.u32 s28, s1  }
0x1b: {  	s9 =	sadd.s32 $0x10C00, s14;
	s15 =	sshll.u32 s24, $0x4;
	v42 =	vor.u32 s28, v42;
	v43 =	vor.u32 s28, v43;
	v44 =	vor.u32 s28, v44;
	s1 =	sshll.u32 s10, $0x6  }
0x1c: {  	s26 =	simm.s32 $0x700;
	s16 =	sshrl.u32 s31, $0x1;
	v45 =	vor.u32 s28, v45;
	v47 =	vor.u32 s28, v47;
	s15 =	sadd.s32 s15, s14;
	v0 =	vor.u32 s1, v13  }
0x1d: {  	s16 =	ssub.s32 s31, s16;
	p1 =	sne.s32 s24, $0x0;
	s15 =	sadd.s32 $0x10E00, s15;
	v1 =	vor.u32 s1, v1;
	v2 =	vor.u32 s1, v2;
	v3 =	vor.u32 s1, v3  }
0x1e: {  	s16 =	smax.u32 s16, $0x1;
	p0 =	seq.s32 s24, $0x2;
	s11 =	sshll.u32 s8, $0x1;
	v4 =	vor.u32 s1, v4;
	v5 =	vor.u32 s1, v5;
	v6 =	vor.u32 s1, v6  }
.Ltmp0:
0x1f: {  	s24 =	simm.s32 $0x2;
	s11 =	sand.u32 $0x1FFFFFFE, s11;
	v7 =	vor.u32 s1, v7;
	v8 =	vor.u32 s1, v8;
	v9 =	vor.u32 s1, v9;
	(pc) =	sbr.rel .LBB2_1-.Ltmp0, $4  }
0x20: {  	s8 =	simm.s32 $0x1;
	s10 =	sshrl.u32 s10, $0x3;
	s13 =	sadd.s32 s11, s14;
	v10 =	vor.u32 s1, v10;
	v11 =	vor.u32 s1, v11;
	v12 =	vor.u32 s1, v12  }
0x21: {  	v13 =	vor.u32 s1, v14;
	v14 =	vor.u32 s1, v15;
	v15 =	vor.u32 s1, v16;
	s1 =	rddreg [dreg:$0x1];
	_ =	strace $0x80000047;
	s12 =	sadd.s32 s10, s14  }
0x22: {  	v51 =	vadd.s32 $0x10F, v49;
	v16 =	vor.u32 s28, v48;
	s10 =	sadd.s32 s7, s10;
	v48 =	vadd.s32 $0xF1, v48;
	s11 =	sadd.s32 $0x10600, s12;
	s12 =	sadd.s32 $0x10A00, s13  }
0x23: {  	v49 =	vadd.s32 $0xFFFFFFFF, v46;
	vm0 =	vne.s32 v50, v51;
	s13 =	sadd.s32 $0x11010, s14;
	s14 =	sadd.s32 $0x11000, s14;
	v48 =	vadd.s32 s28, v48;
	s28 =	simm.s32 $0x780  }
.LBB2_4:
0x24: {  	[tilespmem:s23], [sflag:$0x2] =	stream.linear.gather [hbm4b:s1+s5], $0x80, $0x38;
	[tilespmem:$0x900] =	vst v63  }
0x25: {  	_ =	swait.ge [sflag:s24], $0x80  }
0x26: {  	[sflag:s24] =	ssyncset.done $0x0  }
0x27: {  	[sflag:s24] =	ssyncadd.s32 $0xFFFFFF80  }
0x28: {  	v51 =	vld [tilespmem:$0x880];
	_ =	sdelay $0x4  }
0x29: {  	v51 =	vadd.s32 v49, v51  }
0x2a: {  	[tilespmem:$0x700] =	vst v51  }
0x2b: {  	[tilespmem:s28], [sflag:$0x2] =	stream.indirect.gather [hbm4b:s7+s25], $0x1, s26, s25, $0xb8;
	[tilespmem:$0x900] =	vst v63  }
0x2c: {  	_ =	swait.ge [sflag:s24], $0x10  }
0x2d: {  	[sflag:s24] =	ssyncset.done $0x0  }
0x2e: {  	s31 =	smov.u32 s13;
	[sflag:s24] =	ssyncadd.s32 $0xFFFFFFF0  }
0x2f: {  	[tilespmem:s29], [sflag:$0x2] =	stream.indirect.gather [hbm4b:s4+s25], $0x1, s28, s25, $0xb8;
	[tilespmem:$0x900] =	vst v63  }
.LBB2_5:
0x30: {  	_ =	swait.ge [sflag:s24], $0x10  }
0x31: {  	[sflag:s24] =	ssyncset.done $0x0  }
0x32: {  	[sflag:s24] =	ssyncadd.s32 $0xFFFFFFF0  }
0x33: {  	[hbm4b:s31+s5] =	stream.linear.scatter [tilespmem:s29], [sflag:$0x2], $0x80, $0x38;
	[tilespmem:$0x900] =	vst v63  }
0x34: {  	_ =	swait.ge [sflag:s24], $0x80  }
0x35: {  	[sflag:s24] =	ssyncset.done $0x0  }
0x36: {  	[sflag:s24] =	ssyncadd.s32 $0xFFFFFF80  }
.LBB2_6:
0x37: {  	_ =	swait.ge [sflag:s8], $0x100  }
0x38: {  	[sflag:s8] =	ssyncset.done $0x0  }
0x39: {  	[sflag:s8] =	ssyncadd.s32 $0xFFFFFF00  }
0x3a: {  	_ =	swait.ge [sflag:s8], $0x100  }
0x3b: {  	[sflag:s8] =	ssyncset.done $0x0  }
0x3c: {  	[sflag:s8] =	ssyncadd.s32 $0xFFFFFF00  }
0x3d: {  	v51 =	vld [tilespmem:$0x480];
	_ =	sdelay $0x1  }
0x3e: {  	v52 =	vld [tilespmem:$0x580];
	_ =	sdelay $0x1  }
0x3f: {  	v53 =	vld [tilespmem:$0x490]  }
0x40: {  	v51 =	vadd.f32 $0.0e+00, v51  }
0x41: {  	vm1 =	vlt.s32 v16, v50;
	vm2 =	vlt.s32 v17, v50;
	v54 =	vld [tilespmem:$0x590]  }
0x42: {  	v52 =	vnsel vm2, $0x0, v52;
	v51 =	vnsel vm1, $0x0, v51  }
0x43: {  	v61 =	vld [tilespmem:$0x4A0];
	vm1 =	vlt.s32 v18, v50;
	v51 =	vadd.f32 v52, v51  }
0x44: {  	v53 =	vnsel vm1, $0x0, v53  }
0x45: {  	v62 =	vld [tilespmem:$0x5A0];
	vm1 =	vlt.s32 v19, v50;
	v51 =	vadd.f32 v53, v51  }
0x46: {  	v54 =	vnsel vm1, $0x0, v54  }
0x47: {  	v63 =	vld [tilespmem:$0x4B0];
	vm1 =	vlt.s32 v20, v50;
	v51 =	vadd.f32 v54, v51  }
0x48: {  	v52 =	vnsel vm1, $0x0, v61  }
0x49: {  	v57 =	vld [tilespmem:$0x5B0];
	vm1 =	vlt.s32 v21, v50;
	v51 =	vadd.f32 v52, v51  }
0x4a: {  	v53 =	vnsel vm1, $0x0, v62  }
0x4b: {  	v58 =	vld [tilespmem:$0x4C0];
	vm1 =	vlt.s32 v22, v50;
	v51 =	vadd.f32 v53, v51  }
0x4c: {  	v54 =	vnsel vm1, $0x0, v63  }
0x4d: {  	v59 =	vld [tilespmem:$0x5C0];
	vm1 =	vlt.s32 v23, v50;
	v51 =	vadd.f32 v54, v51  }
0x4e: {  	v52 =	vnsel vm1, $0x0, v57  }
0x4f: {  	v60 =	vld [tilespmem:$0x4D0];
	vm1 =	vlt.s32 v24, v50;
	v51 =	vadd.f32 v52, v51  }
0x50: {  	v53 =	vnsel vm1, $0x0, v58  }
0x51: {  	v61 =	vld [tilespmem:$0x5D0];
	vm1 =	vlt.s32 v25, v50;
	v51 =	vadd.f32 v53, v51  }
0x52: {  	v54 =	vnsel vm1, $0x0, v59  }
0x53: {  	v62 =	vld [tilespmem:$0x4E0];
	vm1 =	vlt.s32 v26, v50;
	v51 =	vadd.f32 v54, v51  }
0x54: {  	v52 =	vnsel vm1, $0x0, v60  }
0x55: {  	v63 =	vld [tilespmem:$0x5E0];
	vm1 =	vlt.s32 v27, v50;
	v51 =	vadd.f32 v52, v51  }
0x56: {  	v53 =	vnsel vm1, $0x0, v61  }
0x57: {  	v57 =	vld [tilespmem:$0x4F0];
	vm1 =	vlt.s32 v28, v50;
	v51 =	vadd.f32 v53, v51  }
0x58: {  	v54 =	vnsel vm1, $0x0, v62  }
0x59: {  	v58 =	vld [tilespmem:$0x5F0];
	vm1 =	vlt.s32 v29, v50;
	v51 =	vadd.f32 v54, v51  }
0x5a: {  	v52 =	vnsel vm1, $0x0, v63  }
0x5b: {  	v59 =	vld [tilespmem:$0x500];
	vm1 =	vlt.s32 v30, v50;
	v51 =	vadd.f32 v52, v51  }
0x5c: {  	v53 =	vnsel vm1, $0x0, v57  }
0x5d: {  	v60 =	vld [tilespmem:$0x600];
	vm1 =	vlt.s32 v31, v50;
	v51 =	vadd.f32 v53, v51  }
0x5e: {  	v54 =	vnsel vm1, $0x0, v58  }
0x5f: {  	v61 =	vld [tilespmem:$0x510];
	vm1 =	vlt.s32 v32, v50;
	v51 =	vadd.f32 v54, v51  }
0x60: {  	v52 =	vnsel vm1, $0x0, v59  }
0x61: {  	v62 =	vld [tilespmem:$0x610];
	vm1 =	vlt.s32 v33, v50;
	v51 =	vadd.f32 v52, v51  }
0x62: {  	v53 =	vnsel vm1, $0x0, v60  }
0x63: {  	v63 =	vld [tilespmem:$0x520];
	vm1 =	vlt.s32 v34, v50;
	v51 =	vadd.f32 v53, v51  }
0x64: {  	v54 =	vnsel vm1, $0x0, v61  }
0x65: {  	v57 =	vld [tilespmem:$0x620];
	vm1 =	vlt.s32 v35, v50;
	v51 =	vadd.f32 v54, v51  }
0x66: {  	v52 =	vnsel vm1, $0x0, v62  }
0x67: {  	v58 =	vld [tilespmem:$0x530];
	vm1 =	vlt.s32 v36, v50;
	v51 =	vadd.f32 v52, v51  }
0x68: {  	v53 =	vnsel vm1, $0x0, v63  }
0x69: {  	v59 =	vld [tilespmem:$0x630];
	vm1 =	vlt.s32 v37, v50;
	v51 =	vadd.f32 v53, v51  }
0x6a: {  	v54 =	vnsel vm1, $0x0, v57  }
0x6b: {  	v60 =	vld [tilespmem:$0x540];
	vm1 =	vlt.s32 v38, v50;
	v51 =	vadd.f32 v54, v51  }
0x6c: {  	v52 =	vnsel vm1, $0x0, v58  }
0x6d: {  	v61 =	vld [tilespmem:$0x640];
	vm1 =	vlt.s32 v39, v50;
	v51 =	vadd.f32 v52, v51  }
0x6e: {  	v53 =	vnsel vm1, $0x0, v59  }
0x6f: {  	v62 =	vld [tilespmem:$0x550];
	vm1 =	vlt.s32 v40, v50;
	v51 =	vadd.f32 v53, v51  }
0x70: {  	v54 =	vnsel vm1, $0x0, v60  }
0x71: {  	v63 =	vld [tilespmem:$0x650];
	vm1 =	vlt.s32 v41, v50;
	v51 =	vadd.f32 v54, v51  }
0x72: {  	v52 =	vnsel vm1, $0x0, v61  }
0x73: {  	v57 =	vld [tilespmem:$0x560];
	vm1 =	vlt.s32 v42, v50;
	v51 =	vadd.f32 v52, v51  }
0x74: {  	v53 =	vnsel vm1, $0x0, v62  }
0x75: {  	v58 =	vld [tilespmem:$0x660];
	vm1 =	vlt.s32 v43, v50;
	v51 =	vadd.f32 v53, v51  }
0x76: {  	v54 =	vnsel vm1, $0x0, v63  }
0x77: {  	v59 =	vld [tilespmem:$0x570];
	vm1 =	vlt.s32 v44, v50;
	v51 =	vadd.f32 v54, v51  }
0x78: {  	v52 =	vnsel vm1, $0x0, v57  }
0x79: {  	v60 =	vld [tilespmem:$0x670];
	vm1 =	vlt.s32 v45, v50;
	v51 =	vadd.f32 v52, v51  }
0x7a: {  	v53 =	vnsel vm1, $0x0, v58  }
0x7b: {  	vm1 =	vlt.s32 v47, v50;
	v51 =	vadd.f32 v53, v51  }
0x7c: {  	v61 =	vnsel vm1, $0x0, v59;
	vm1 =	vlt.s32 v48, v50  }
0x7d: {  	vm1 =	vmand vm0, vm1;
	v62 =	vadd.f32 v61, v51  }
0x7e: {  	v63 =	vnsel vm1, $0x0, v60  }
0x7f: {  	s16 =	sadd.s32 $0xFFFFFFFF, s16;
	v50 =	vadd.f32 v63, v62  }
0x80: {  	p2 =	sne.s32 s16, $0x0  }
.Ltmp1:
0x81: {  	[tilespmem:$0x680] =	vst v50;
	(pc) =	sbr.rel @!p2 .LBB2_7-.Ltmp1, $4  }
0x82: {  	[hbm4b:s15+s5] =	stream.linear.scatter [tilespmem:s30], [sflag:$0x2], $0x80, $0x38;
	[tilespmem:$0x900] =	vst v63  }
0x83: {  	_ =	swait.ge [sflag:s24], $0x80  }
0x84: {  	[sflag:s24] =	ssyncset.done $0x0  }
0x85: {  	[sflag:s24] =	ssyncadd.s32 $0xFFFFFF80  }
.LBB2_1:
0x86: {  	[tilespmem:s5], [sflag:$0x1] =	stream.linear.gather [hbm4b:s10+s5], $0x100, $0x38;
	[tilespmem:$0x900] =	vst v63  }
0x87: {  	_ = 	snop  }
0x88: {  	[tilespmem:s17], [sflag:$0x1] =	stream.linear.gather [hbm4b:s11+s5], $0x100, $0x38;
	[tilespmem:$0x900] =	vst v63  }
0x89: {  	_ = 	snop  }
0x8a: {  	[tilespmem:s18], [sflag:$0x1] =	stream.linear.gather [hbm4b:s12+s5], $0x10, $0x38;
	[tilespmem:$0x900] =	vst v63  }
0x8b: {  	_ =	swait.ge [sflag:s8], $0x100  }
0x8c: {  	[sflag:s8] =	ssyncset.done $0x0  }
0x8d: {  	[sflag:s8] =	ssyncadd.s32 $0xFFFFFF00  }
0x8e: {  	_ =	swait.ge [sflag:s8], $0x100  }
0x8f: {  	[sflag:s8] =	ssyncset.done $0x0  }
0x90: {  	[sflag:s8] =	ssyncadd.s32 $0xFFFFFF00  }
0x91: {  	_ =	swait.ge [sflag:s8], $0x10  }
0x92: {  	[sflag:s8] =	ssyncset.done $0x0  }
0x93: {  	[sflag:s8] =	ssyncadd.s32 $0xFFFFFFF0  }
0x94: {  	v50 =	vld [tilespmem:$0x0]  }
0x95: {  	v51 =	vld [tilespmem:$0x100]  }
0x96: {  	v52 =	vld [tilespmem:$0x10]  }
0x97: {  	v53 =	vld [tilespmem:$0x110]  }
0x98: {  	v54 =	vld [tilespmem:$0x20]  }
0x99: {  	v56 =	vld [tilespmem:$0x120]  }
0x9a: {  	v60 =	vld [tilespmem:$0x140];
	v55 =	vadd.s32 v50, v0;
	v50 =	vshll.u32 v50, $0x6  }
0x9b: {  	v63 =	vadd.s32 v52, v1;
	v52 =	vshll.u32 v52, $0x6;
	v50 =	vadd.s32 v51, v50;
	v51 =	vld [tilespmem:$0x30]  }
0x9c: {  	[tilespmem:$0x280] =	vst v55;
	v57 =	vadd.s32 v53, v52;
	v52 =	vld [tilespmem:$0x40]  }
0x9d: {  	v58 =	vadd.s32 v54, v2;
	v55 =	vld [tilespmem:$0x130];
	[tilespmem:$0x290] =	vst v63  }
0x9e: {  	[tilespmem:$0x2A0] =	vst v58;
	v53 =	vld [tilespmem:$0x50]  }
0x9f: {  	v59 =	vshll.u32 v54, $0x6;
	v63 =	vld [tilespmem:$0x150];
	[tilespmem:$0x380] =	vst v50  }
0xa0: {  	v54 =	vld [tilespmem:$0x170];
	v61 =	vadd.s32 v56, v59;
	[tilespmem:$0x390] =	vst v57  }
0xa1: {  	v58 =	vld [tilespmem:$0x60];
	[tilespmem:$0x3A0] =	vst v61;
	v62 =	vadd.s32 v51, v3;
	v59 =	vadd.s32 v52, v4;
	v52 =	vshll.u32 v52, $0x6  }
0xa2: {  	v51 =	vshll.u32 v51, $0x6;
	[tilespmem:$0x2B0] =	vst v62;
	v60 =	vadd.s32 v60, v52;
	v52 =	vld [tilespmem:$0x70]  }
0xa3: {  	v61 =	vadd.s32 v53, v5;
	v53 =	vshll.u32 v53, $0x6;
	v57 =	vadd.s32 v55, v51;
	v55 =	vld [tilespmem:$0x160];
	[tilespmem:$0x2C0] =	vst v59  }
0xa4: {  	[tilespmem:$0x2D0] =	vst v61;
	v62 =	vadd.s32 v63, v53;
	v53 =	vld [tilespmem:$0x80]  }
0xa5: {  	v56 =	vld [tilespmem:$0x180];
	[tilespmem:$0x3B0] =	vst v57  }
0xa6: {  	v63 =	vadd.s32 v58, v6;
	v61 =	vld [tilespmem:$0x90];
	[tilespmem:$0x3D0] =	vst v62  }
0xa7: {  	v51 =	vshll.u32 v58, $0x6;
	[tilespmem:$0x2E0] =	vst v63;
	v63 =	vld [tilespmem:$0x190];
	v62 =	vadd.s32 v52, v7;
	v52 =	vshll.u32 v52, $0x6  }
0xa8: {  	[tilespmem:$0x3C0] =	vst v60;
	v60 =	vadd.s32 v55, v51;
	v57 =	vadd.s32 v54, v52;
	v52 =	vld [tilespmem:$0xA0]  }
0xa9: {  	v58 =	vadd.s32 v53, v8;
	v53 =	vshll.u32 v53, $0x6;
	[tilespmem:$0x3E0] =	vst v60;
	v54 =	vld [tilespmem:$0x1A0]  }
0xaa: {  	[tilespmem:$0x2F0] =	vst v62;
	v59 =	vadd.s32 v56, v53;
	v53 =	vld [tilespmem:$0xB0]  }
0xab: {  	v51 =	vshll.u32 v61, $0x6;
	[tilespmem:$0x300] =	vst v58;
	v60 =	vadd.s32 v61, v9;
	v61 =	vld [tilespmem:$0x1B0]  }
0xac: {  	v62 =	vadd.s32 v63, v51;
	v63 =	vld [tilespmem:$0xC0];
	[tilespmem:$0x3F0] =	vst v57  }
0xad: {  	[tilespmem:$0x400] =	vst v59  }
0xae: {  	[tilespmem:$0x310] =	vst v60  }
0xaf: {  	v55 =	vld [tilespmem:$0x1C0];
	[tilespmem:$0x410] =	vst v62;
	v57 =	vadd.s32 v52, v10;
	v52 =	vshll.u32 v52, $0x6  }
0xb0: {  	v59 =	vadd.s32 v53, v11;
	v53 =	vshll.u32 v53, $0x6;
	[tilespmem:$0x320] =	vst v57;
	v58 =	vadd.s32 v54, v52;
	v52 =	vld [tilespmem:$0xD0]  }
0xb1: {  	v62 =	vadd.s32 v63, v12;
	[tilespmem:$0x330] =	vst v59;
	v60 =	vadd.s32 v61, v53;
	v61 =	vld [tilespmem:$0xE0]  }
0xb2: {  	v54 =	vld [tilespmem:$0x1D0];
	[tilespmem:$0x340] =	vst v62  }
0xb3: {  	v51 =	vshll.u32 v63, $0x6;
	v63 =	vld [tilespmem:$0x1E0];
	[tilespmem:$0x420] =	vst v58  }
0xb4: {  	v55 =	vadd.s32 v55, v51;
	v51 =	vld [tilespmem:$0xF0];
	[tilespmem:$0x430] =	vst v60  }
0xb5: {  	[tilespmem:$0x440] =	vst v55;
	v58 =	vld [tilespmem:$0x1F0];
	v57 =	vadd.s32 v52, v13  }
0xb6: {  	v52 =	vshll.u32 v52, $0x6;
	v60 =	vadd.s32 v61, v14;
	[tilespmem:$0x350] =	vst v57  }
0xb7: {  	v61 =	vshll.u32 v61, $0x6;
	v59 =	vadd.s32 v54, v52;
	[tilespmem:$0x360] =	vst v60  }
0xb8: {  	v62 =	vadd.s32 v63, v61;
	[tilespmem:$0x450] =	vst v59  }
0xb9: {  	v63 =	vadd.s32 v51, v15;
	v51 =	vshll.u32 v51, $0x6;
	[tilespmem:$0x460] =	vst v62  }
.Ltmp2:
0xba: {  	[tilespmem:$0x370] =	vst v63;
	v51 =	vadd.s32 v58, v51;
	(pc) =	sbr.rel @p0 .LBB2_4-.Ltmp2, $4  }
0xbb: {  	[tilespmem:$0x470] =	vst v51  }
0xbc: {  	v50 =	vld [tilespmem:$0x200];
	[tilespmem:s20], [sflag:$0x1] =	stream.indirect.gather [hbm4b:s6+s17], $0x1, s19, s17, $0xb8  }
0xbd: {  	_ = 	snop  }
0xbe: {  	[tilespmem:s22], [sflag:$0x1] =	stream.indirect.gather [hbm4b:s9+s17], $0x1, s21, s17, $0xb8;
	[tilespmem:$0x900] =	vst v63  }
.Ltmp3:
0xbf: {  	(pc) =	sbr.rel @p1 .LBB2_6-.Ltmp3, $1  }
0xc0: {  	_ =	sdelay $0x3  }
0xc1: {  	[tilespmem:$0x700] =	vst v46  }
0xc2: {  	[tilespmem:s28], [sflag:$0x2] =	stream.indirect.gather [hbm4b:s7+s25], $0x1, s26, s25, $0xb8;
	[tilespmem:$0x900] =	vst v63  }
.Ltmp4:
0xc3: {  	_ = 	snop;
	(pc) =	sbr.rel .LBB2_5-.Ltmp4, $4  }
0xc4: {  	_ =	swait.ge [sflag:s24], $0x10  }
0xc5: {  	[sflag:s24] =	ssyncset.done $0x0  }
0xc6: {  	s31 =	smov.u32 s14;
	[sflag:s24] =	ssyncadd.s32 $0xFFFFFFF0  }
0xc7: {  	[tilespmem:s29], [sflag:$0x2] =	stream.indirect.gather [hbm4b:s2+s25], $0x1, s28, s25, $0xb8;
	[tilespmem:$0x900] =	vst v63  }
.LBB2_7:
0xc8: {  	_ =	sfence.sel $0x180000  }
0xc9: {  	[bflag:$0x0] =	sbarrier.arrive $0xFFFF  }
0xca: {  	p0 =	sne.s32 s0, $0x0;
	_ =	strace $0x90000047  }
0xcb: {  	s0 =	sadd.s32 @!p0 $0x100000, s3;
	[bflag:$0x2] =	sbarrier.arrive $0xFFFF  }
0xcc: {  	[sflag:s0] =	ssyncadd.tile.s32 @!p0 $0x1;
	_ =	shalt  }
.Lfunc_end2:
_tile_overlayer_lowered:
.L_overlay_start_2:
0xcd: {  	(tag) =	ssettag $0x2  }
0xce: {  	s0 =	rddreg [dreg:$0x0];
	s2 =	stileid.u32  }
0xcf: {  	s1 =	rddreg [dreg:$0x1];
	p0 =	sne.s32 s2, $0x0  }
0xd0: {  	s3 =	rddreg [dreg:$0x2];
	[bflag:$0x3] =	sbarrier.arrive $0xFFFF;
	s2 =	simm.s32 @!p0 $0x1C02  }
0xd1: {  	[timem:s3], [sflag:s2] =	dma.local @!p0 [hbm:s0], s1  }
0xd2: {  	s0 =	simm.s32 @!p0 $0x2  }
0xd3: {  	_ =	swait.ge @!p0 [sflag:s0], s1  }
0xd4: {  	s1 =	ssub.s32 @!p0 $0x0, s1;
	[sflag:s0] =	ssyncset.done @!p0 $0x0  }
0xd5: {  	[sflag:s0] =	ssyncadd.s32 @!p0 s1  }
0xd6: {  	[bflag:$0x3] =	sbarrier.arrive $0xFFFF  }
0xd7: {  	_ =	shalt  }

</sc_bundles>
